<compile_context>
chip_gen: v7x
topology: tpu7x:2x2x1
jax: 0.10.2.dev20260603
libtpu: 0.0.44.dev20260713+nightly
codegen_flags: <defaults>
</compile_context>

<pallas_src>
import jax
import jax.numpy as jnp
from jax import lax
from jax.experimental import pallas as pl
from jax.experimental.pallas import tpu as pltpu
from jax.experimental.pallas import tpu_sc as plsc

B = 1024
S = 128
NB = 36
H = 768
V = 30522
VD = 2048
EPS = 1e-12

NC = 2
NS = 16
NW = NC * NS

N_TOK = B * S
TOK_PER_W = N_TOK // NW
GCH = 64
N_GCH = TOK_PER_W // GCH

TEXT_BLK = 1024
VIS_BLK = 1024
N_VIS = B * NB


def _make_sc_gather_body(n_tok):
    tok_per_w = n_tok // NW
    n_gch = tok_per_w // GCH

    def body(table_hbm, idx_hbm, out_hbm,
             idx_all, idx_c0, idx_c1, rows0, rows1, sem0, sem1):
        wid = lax.axis_index("s") * NC + lax.axis_index("c")
        base = wid * tok_per_w
        idx_c = (idx_c0, idx_c1)
        rows_v = (rows0, rows1)
        sems = (sem0, sem1)

        pltpu.sync_copy(idx_hbm.at[pl.ds(wid * n_gch, n_gch)], idx_all)

        def fire(i, b):
            for k in range(GCH // 16):
                idx_c[b][pl.ds(k * 16, 16)] = idx_all[i, pl.ds(k * 16, 16)]
            pltpu.async_copy(table_hbm.at[idx_c[b]], rows_v[b], sems[b])

        fire(0, 0)
        fire(1, 1)

        def step(g, carry):
            for b in range(2):
                i = g * 2 + b
                pltpu.make_async_copy(
                    table_hbm.at[idx_c[b]], rows_v[b], sems[b]).wait()
                pltpu.sync_copy(rows_v[b],
                                out_hbm.at[pl.ds(base + i * GCH, GCH)])

                @pl.when(g < n_gch // 2 - 1)
                def _():
                    fire(i + 2, b)
            return carry

        lax.fori_loop(0, n_gch // 2, step, 0)

    return body, n_gch


def _sc_gather(table, idx2d, n_tok):
    body, n_gch = _make_sc_gather_body(n_tok)
    mesh = plsc.VectorSubcoreMesh(
        core_axis_name="c", subcore_axis_name="s",
        num_cores=NC, num_subcores=NS)
    k = pl.kernel(
        body,
        out_type=jax.ShapeDtypeStruct((n_tok, H), jnp.float32),
        mesh=mesh,
        scratch_types=[
            pltpu.VMEM((n_gch, GCH), jnp.int32),
            pltpu.VMEM((GCH,), jnp.int32),
            pltpu.VMEM((GCH,), jnp.int32),
            pltpu.VMEM((GCH, H), jnp.float32),
            pltpu.VMEM((GCH, H), jnp.float32),
            pltpu.SemaphoreType.DMA,
            pltpu.SemaphoreType.DMA,
        ],
        compiler_params=pltpu.CompilerParams(use_tc_tiling_on_sc=True),
    )
    return k(table, idx2d)


def _layer_norm_rows(x, gamma, beta):
    mean = jnp.mean(x, axis=-1, keepdims=True)
    var = jnp.mean((x - mean) ** 2, axis=-1, keepdims=True)
    return (x - mean) / jnp.sqrt(var + EPS) * gamma + beta


def _text_body(words_ref, pos_ref, tt_ref, wpos_ref, w01_ref, gamma_ref,
               beta_ref, out_ref):
    words = words_ref[...]
    pos = pos_ref[0, 0, :]
    tt = tt_ref[0, 0, :]
    onehot = (pos[:, None] ==
              lax.broadcasted_iota(jnp.int32, (TEXT_BLK, S), 1))
    posemb = jnp.dot(onehot.astype(jnp.float32), wpos_ref[...],
                     preferred_element_type=jnp.float32)
    w0 = w01_ref[0, :]
    w1 = w01_ref[1, :]
    ttemb = w0[None, :] + tt.astype(jnp.float32)[:, None] * (w1 - w0)[None, :]
    x = words + posemb + ttemb
    out_ref[...] = _layer_norm_rows(x, gamma_ref[...], beta_ref[...])


def _vis_body(img_ref, wproj_ref, row_ref, gamma_ref, beta_ref, out_ref):
    v = lax.dot_general(img_ref[...], wproj_ref[...],
                        dimension_numbers=(((1,), (1,)), ((), ())),
                        preferred_element_type=jnp.float32)
    x = v + row_ref[0, :][None, :]
    out_ref[...] = _layer_norm_rows(x, gamma_ref[...], beta_ref[...])


def _text_body_b(alias_ref, words_ref, pos_ref, tt_ref, wpos_ref, w01_ref,
                 gamma_ref, beta_ref, out_ref):
    del alias_ref
    _text_body(words_ref, pos_ref, tt_ref, wpos_ref, w01_ref, gamma_ref,
               beta_ref, out_ref)


def _text_call_pair(words_a, words_b, pos3, tt3, wpos, w01, gamma, beta):
    nb_h = (N_TOK // TEXT_BLK) // 2
    common = [
        pl.BlockSpec((TEXT_BLK, H), lambda i: (i, 0)),
        pl.BlockSpec((1, 1, TEXT_BLK), lambda i: (i, 0, 0)),
        pl.BlockSpec((1, 1, TEXT_BLK), lambda i: (i, 0, 0)),
        pl.BlockSpec((S, H), lambda i: (0, 0)),
        pl.BlockSpec((8, H), lambda i: (0, 0)),
        pl.BlockSpec((H,), lambda i: (0,)),
        pl.BlockSpec((H,), lambda i: (0,)),
    ]
    t_a = pl.pallas_call(
        _text_body,
        grid=(nb_h,),
        in_specs=common,
        out_specs=pl.BlockSpec((TEXT_BLK, H), lambda i: (i, 0)),
        out_shape=jax.ShapeDtypeStruct((N_TOK, H), jnp.float32),
    )(words_a, pos3[:nb_h], tt3[:nb_h], wpos, w01, gamma, beta)
    t_b = pl.pallas_call(
        _text_body_b,
        grid=(nb_h,),
        in_specs=[pl.BlockSpec((8, H), lambda i: (0, 0))] + common,
        out_specs=pl.BlockSpec((TEXT_BLK, H), lambda i: (i + nb_h, 0)),
        out_shape=jax.ShapeDtypeStruct((N_TOK, H), jnp.float32),
        input_output_aliases={0: 0},
    )(t_a, words_b, pos3[nb_h:], tt3[nb_h:], wpos, w01, gamma, beta)
    return t_b


def _vis_call(img3d_t, wproj, row, gamma, beta):
    img2d = img3d_t.reshape(N_VIS, VD)
    n_blk = N_VIS // VIS_BLK
    out = pl.pallas_call(
        _vis_body,
        grid=(n_blk,),
        in_specs=[
            pl.BlockSpec((VIS_BLK, VD), lambda i: (i, 0)),
            pl.BlockSpec((H, VD), lambda i: (0, 0)),
            pl.BlockSpec((8, H), lambda i: (0, 0)),
            pl.BlockSpec((H,), lambda i: (0,)),
            pl.BlockSpec((H,), lambda i: (0,)),
        ],
        out_specs=pl.BlockSpec((VIS_BLK, H), lambda i: (i, 0)),
        out_shape=jax.ShapeDtypeStruct((N_VIS, H), jnp.float32),
    )(img2d, wproj, row, gamma, beta)
    return jnp.swapaxes(out.reshape(NB, B, H), 0, 1)


def kernel(token_ids, image_feat, token_type_ids, position_ids, W_word,
           W_pos, W_tt_vis, W_pos_vis, W_proj, b_proj, gamma, beta):
    half = N_TOK // 2
    idx2d = token_ids.reshape(N_TOK // GCH, GCH)
    words_a = _sc_gather(W_word, idx2d[:half // GCH], half)
    words_b = _sc_gather(W_word, idx2d[half // GCH:], half)

    pos3 = position_ids.reshape(N_TOK // TEXT_BLK, 1, TEXT_BLK)
    tt3 = token_type_ids.reshape(N_TOK // TEXT_BLK, 1, TEXT_BLK)
    text = _text_call_pair(words_a, words_b, pos3, tt3, W_pos[:S],
                           W_word[:8], gamma, beta)

    vrow = (b_proj + W_tt_vis[1] + W_pos_vis[0])[None, :]
    vrow8 = jnp.broadcast_to(vrow, (8, H))
    vis = _vis_call(jnp.swapaxes(image_feat, 0, 1), W_proj, vrow8,
                    gamma, beta)

    return (text.reshape(B, S, H), vis)

# --- scband reference (transcript-rebuilt; emitter-appended) ---
"""Pipeline reference for scband-visual-bert-embeddings-5446018531396 (READ-ONLY COPY).

The authoritative reference and input builder live on the scoring server;
editing this copy changes nothing except your own understanding.
"""

import jax, jax.numpy as jnp
import numpy as np

B = 1024
S = 128
NB = 36
H = 768
V = 30522
P = 512
VD = 2048
EPS = 1e-12


def _layer_norm(x, gamma, beta):
    mean = jnp.mean(x, axis=-1, keepdims=True)
    var = jnp.mean((x - mean) ** 2, axis=-1, keepdims=True)
    return (x - mean) / jnp.sqrt(var + EPS) * gamma + beta


def setup_inputs(seed: int = 0) -> dict:
    key = jax.random.key(seed)
    ks = jax.random.split(key, 8)
    token_ids = jax.random.randint(ks[0], (B, S), 0, V)
    token_type_ids = jax.random.randint(ks[1], (B, S), 0, 2)
    position_ids = jax.random.randint(ks[2], (B, S), 0, S)
    image_feat = jax.random.normal(ks[3], (B, NB, VD), dtype=jnp.float32)
    W_word = jax.random.normal(ks[4], (V, H), dtype=jnp.float32) * 0.02
    W_pos = jax.random.normal(ks[5], (P, H), dtype=jnp.float32) * 0.02
    # special_initialize: visual tables are copies of the shared tables
    W_tt_vis = jnp.array(W_word)
    W_pos_vis = jnp.array(W_pos)
    W_proj = jax.random.normal(ks[6], (H, VD), dtype=jnp.float32) * 0.02
    b_proj = jnp.zeros((H,), dtype=jnp.float32)
    gamma = jnp.ones((H,), dtype=jnp.float32)
    beta = jnp.zeros((H,), dtype=jnp.float32)
    return {
        "token_ids": token_ids,
        "image_feat": image_feat,
        "token_type_ids": token_type_ids,
        "position_ids": position_ids,
        "W_word": W_word,
        "W_pos": W_pos,
        "W_tt_vis": W_tt_vis,
        "W_pos_vis": W_pos_vis,
        "W_proj": W_proj,
        "b_proj": b_proj,
        "gamma": gamma,
        "beta": beta,
    }


def reference(token_ids, image_feat, token_type_ids, position_ids,
              W_word, W_pos, W_tt_vis, W_pos_vis, W_proj, b_proj, gamma, beta):
    # word + position + token_type (token_type table is tied to word table)
    words_embeddings = jnp.take(W_word, token_ids, axis=0)
    position_embeddings = jnp.take(W_pos, position_ids, axis=0)
    embeddings = words_embeddings + position_embeddings
    token_type_embeddings = jnp.take(W_word, token_type_ids, axis=0)
    embeddings = embeddings + token_type_embeddings
    # visual branch
    visual_embeddings = jnp.einsum('bnd,hd->bnh', image_feat, W_proj) + b_proj
    # token type ids for visual are all ones -> row 1 of visual token-type table
    tt_vis = jnp.broadcast_to(W_tt_vis[1], visual_embeddings.shape)
    # position ids for visual are all zeros -> row 0 of visual position table
    pos_vis = jnp.broadcast_to(W_pos_vis[0], visual_embeddings.shape)
    v_embeddings = visual_embeddings + pos_vis + tt_vis
    vl = jnp.concatenate([embeddings, v_embeddings], axis=1)
    vl = _layer_norm(vl, gamma, beta)
    # dropout is identity in eval mode
    embeddings_out = vl[:, :S, :]
    v_embeddings_out = vl[:, S:, :]
    return (embeddings_out, v_embeddings_out)

if __name__ == "__main__":
    import jax
    _d = setup_inputs()
    print(jax.jit(kernel)(*tuple(_d.values())))

</pallas_src>

<mosaic_0001>
#map = affine_map<(d0, d1) -> (0, 0)>
module attributes {stable_mosaic.version = 14 : i64} {
  func.func @body(%arg0: i32, %arg1: i32, %arg2: memref<30522x768xf32, #tpu.memory_space<hbm>>, %arg3: memref<1024x64xi32, #tpu.memory_space<hbm>>, %arg4: memref<65536x768xf32, #tpu.memory_space<hbm>>, %arg5: memref<32x64xi32, #tpu.memory_space<vmem>>, %arg6: memref<64xi32, #tpu.memory_space<vmem>>, %arg7: memref<64xi32, #tpu.memory_space<vmem>>, %arg8: memref<64x768xf32, #tpu.memory_space<vmem>>, %arg9: memref<64x768xf32, #tpu.memory_space<vmem>>, %arg10: memref<!tpu.dma_semaphore, #tpu.memory_space<semaphore_mem>>, %arg11: memref<!tpu.dma_semaphore, #tpu.memory_space<semaphore_mem>>) attributes {dimension_semantics = [#tpu.dimension_semantics<core_parallel>, #tpu.dimension_semantics<subcore_parallel>], iteration_bounds = array<i64: 2, 16>, scalar_prefetch = 0 : i64, scratch_operands = 7 : i64, tpu.core_type = #tpu.core_type<sc_vector_subcore>, window_params = [{transform_indices = #map}, {transform_indices = #map}, {transform_indices = #map}]} {
    %mul3A = arith.constant 2 : i32
    %mul3A_0 = arith.muli %arg1, %mul3A : i32
    %add3A = arith.addi %mul3A_0, %arg0 : i32
    %mul3A_1 = arith.constant 2048 : i32
    %mul3A_2 = arith.muli %add3A, %mul3A_1 : i32
    %mul3A_3 = arith.constant 32 : i32
    %mul3A_4 = arith.muli %add3A, %mul3A_3 : i32
    "tpu.region"() ({
      %run_scoped3A = tpu.sem_alloc : memref<!tpu.dma_semaphore, #tpu.memory_space<semaphore_mem>>
      %dma_start3A_85 = arith.constant 0 : i32
      %dma_start3A_86 = tpu.memref_slice %arg3[%mul3A_4, %dma_start3A_85] : memref<1024x64xi32, #tpu.memory_space<hbm>> -> memref<32x64xi32, #tpu.memory_space<hbm>>
      %dma_start3A_87 = arith.constant 0 : i32
      %dma_start3A_88 = tpu.memref_slice %arg3[%mul3A_4, %dma_start3A_87] : memref<1024x64xi32, #tpu.memory_space<hbm>> -> memref<32x64xi32, #tpu.memory_space<hbm>>
      tpu.enqueue_dma source(%dma_start3A_88 : memref<32x64xi32, #tpu.memory_space<hbm>>) target(%arg5 : memref<32x64xi32, #tpu.memory_space<vmem>>) target_semaphore(%run_scoped3A : memref<!tpu.dma_semaphore, #tpu.memory_space<semaphore_mem>>)
      %dma_wait3A = arith.constant 0 : i32
      %dma_wait3A_89 = tpu.memref_slice %arg3[%mul3A_4, %dma_wait3A] : memref<1024x64xi32, #tpu.memory_space<hbm>> -> memref<32x64xi32, #tpu.memory_space<hbm>>
      %dma_wait3A_90 = arith.constant 0 : i32
      %dma_wait3A_91 = tpu.memref_slice %arg3[%mul3A_4, %dma_wait3A_90] : memref<1024x64xi32, #tpu.memory_space<hbm>> -> memref<32x64xi32, #tpu.memory_space<hbm>>
      tpu.wait_dma2 semaphore(%run_scoped3A : memref<!tpu.dma_semaphore, #tpu.memory_space<semaphore_mem>>) src(%dma_wait3A_91 : memref<32x64xi32, #tpu.memory_space<hbm>>) dst(%arg5 : memref<32x64xi32, #tpu.memory_space<vmem>>)
      tpu.yield
    }) : () -> ()
    %get3A = arith.constant 0 : i32
    %get3A_5 = arith.index_cast %get3A : i32 to index
    %get3A_6 = arith.constant 0 : index
    %get3A_7 = tpu.vector_load %arg5[%get3A_5, %get3A_6] {strides = array<i32>} : memref<32x64xi32, #tpu.memory_space<vmem>>, vector<1x16xi32>,
    %get3A_8 = vector.shape_cast %get3A_7 : vector<1x16xi32> to vector<16xi32>
    %swap3A = arith.constant 0 : index
    %swap3A_9 = tpu.vector_load %arg6[%swap3A] {strides = array<i32>} : memref<64xi32, #tpu.memory_space<vmem>>, vector<16xi32>,
    %swap3A_10 = vector.shape_cast %swap3A_9 : vector<16xi32> to vector<16xi32>
    %swap3A_11 = vector.shape_cast %get3A_8 : vector<16xi32> to vector<16xi32>
    tpu.vector_store %arg6[%swap3A], %swap3A_11 {strides = array<i32>} : memref<64xi32, #tpu.memory_space<vmem>>, vector<16xi32>,
    %get3A_12 = arith.constant 0 : i32
    %get3A_13 = arith.index_cast %get3A_12 : i32 to index
    %get3A_14 = arith.constant 16 : index
    %get3A_15 = tpu.vector_load %arg5[%get3A_13, %get3A_14] {strides = array<i32>} : memref<32x64xi32, #tpu.memory_space<vmem>>, vector<1x16xi32>,
    %get3A_16 = vector.shape_cast %get3A_15 : vector<1x16xi32> to vector<16xi32>
    %swap3A_17 = arith.constant 16 : index
    %swap3A_18 = tpu.vector_load %arg6[%swap3A_17] {strides = array<i32>} : memref<64xi32, #tpu.memory_space<vmem>>, vector<16xi32>,
    %swap3A_19 = vector.shape_cast %swap3A_18 : vector<16xi32> to vector<16xi32>
    %swap3A_20 = vector.shape_cast %get3A_16 : vector<16xi32> to vector<16xi32>
    tpu.vector_store %arg6[%swap3A_17], %swap3A_20 {strides = array<i32>} : memref<64xi32, #tpu.memory_space<vmem>>, vector<16xi32>,
    %get3A_21 = arith.constant 0 : i32
    %get3A_22 = arith.index_cast %get3A_21 : i32 to index
    %get3A_23 = arith.constant 32 : index
    %get3A_24 = tpu.vector_load %arg5[%get3A_22, %get3A_23] {strides = array<i32>} : memref<32x64xi32, #tpu.memory_space<vmem>>, vector<1x16xi32>,
    %get3A_25 = vector.shape_cast %get3A_24 : vector<1x16xi32> to vector<16xi32>
    %swap3A_26 = arith.constant 32 : index
    %swap3A_27 = tpu.vector_load %arg6[%swap3A_26] {strides = array<i32>} : memref<64xi32, #tpu.memory_space<vmem>>, vector<16xi32>,
    %swap3A_28 = vector.shape_cast %swap3A_27 : vector<16xi32> to vector<16xi32>
    %swap3A_29 = vector.shape_cast %get3A_25 : vector<16xi32> to vector<16xi32>
    tpu.vector_store %arg6[%swap3A_26], %swap3A_29 {strides = array<i32>} : memref<64xi32, #tpu.memory_space<vmem>>, vector<16xi32>,
    %get3A_30 = arith.constant 0 : i32
    %get3A_31 = arith.index_cast %get3A_30 : i32 to index
    %get3A_32 = arith.constant 48 : index
    %get3A_33 = tpu.vector_load %arg5[%get3A_31, %get3A_32] {strides = array<i32>} : memref<32x64xi32, #tpu.memory_space<vmem>>, vector<1x16xi32>,
    %get3A_34 = vector.shape_cast %get3A_33 : vector<1x16xi32> to vector<16xi32>
    %swap3A_35 = arith.constant 48 : index
    %swap3A_36 = tpu.vector_load %arg6[%swap3A_35] {strides = array<i32>} : memref<64xi32, #tpu.memory_space<vmem>>, vector<16xi32>,
    %swap3A_37 = vector.shape_cast %swap3A_36 : vector<16xi32> to vector<16xi32>
    %swap3A_38 = vector.shape_cast %get3A_34 : vector<16xi32> to vector<16xi32>
    tpu.vector_store %arg6[%swap3A_35], %swap3A_38 {strides = array<i32>} : memref<64xi32, #tpu.memory_space<vmem>>, vector<16xi32>,
    %dma_start3A = arith.constant 0 : i32
    %dma_start3A_39 = arith.constant 0 : i32
    %dma_start3A_40 = tpu.memref_slice %arg2[%dma_start3A, %dma_start3A_39] : memref<30522x768xf32, #tpu.memory_space<hbm>> -> memref<30522x768xf32, #tpu.memory_space<hbm>>
    tpu.enqueue_indirect_dma source(%dma_start3A_40 : memref<30522x768xf32, #tpu.memory_space<hbm>>) target(%arg8 : memref<64x768xf32, #tpu.memory_space<vmem>>) offsets(%arg6 : memref<64xi32, #tpu.memory_space<vmem>>) semaphore(%arg10 : memref<!tpu.dma_semaphore, #tpu.memory_space<semaphore_mem>>)
    %get3A_41 = arith.constant 1 : i32
    %get3A_42 = arith.index_cast %get3A_41 : i32 to index
    %get3A_43 = arith.constant 0 : index
    %get3A_44 = tpu.vector_load %arg5[%get3A_42, %get3A_43] {strides = array<i32>} : memref<32x64xi32, #tpu.memory_space<vmem>>, vector<1x16xi32>,
    %get3A_45 = vector.shape_cast %get3A_44 : vector<1x16xi32> to vector<16xi32>
    %swap3A_46 = arith.constant 0 : index
    %swap3A_47 = tpu.vector_load %arg7[%swap3A_46] {strides = array<i32>} : memref<64xi32, #tpu.memory_space<vmem>>, vector<16xi32>,
    %swap3A_48 = vector.shape_cast %swap3A_47 : vector<16xi32> to vector<16xi32>
    %swap3A_49 = vector.shape_cast %get3A_45 : vector<16xi32> to vector<16xi32>
    tpu.vector_store %arg7[%swap3A_46], %swap3A_49 {strides = array<i32>} : memref<64xi32, #tpu.memory_space<vmem>>, vector<16xi32>,
    %get3A_50 = arith.constant 1 : i32
    %get3A_51 = arith.index_cast %get3A_50 : i32 to index
    %get3A_52 = arith.constant 16 : index
    %get3A_53 = tpu.vector_load %arg5[%get3A_51, %get3A_52] {strides = array<i32>} : memref<32x64xi32, #tpu.memory_space<vmem>>, vector<1x16xi32>,
    %get3A_54 = vector.shape_cast %get3A_53 : vector<1x16xi32> to vector<16xi32>
    %swap3A_55 = arith.constant 16 : index
    %swap3A_56 = tpu.vector_load %arg7[%swap3A_55] {strides = array<i32>} : memref<64xi32, #tpu.memory_space<vmem>>, vector<16xi32>,
    %swap3A_57 = vector.shape_cast %swap3A_56 : vector<16xi32> to vector<16xi32>
    %swap3A_58 = vector.shape_cast %get3A_54 : vector<16xi32> to vector<16xi32>
    tpu.vector_store %arg7[%swap3A_55], %swap3A_58 {strides = array<i32>} : memref<64xi32, #tpu.memory_space<vmem>>, vector<16xi32>,
    %get3A_59 = arith.constant 1 : i32
    %get3A_60 = arith.index_cast %get3A_59 : i32 to index
    %get3A_61 = arith.constant 32 : index
    %get3A_62 = tpu.vector_load %arg5[%get3A_60, %get3A_61] {strides = array<i32>} : memref<32x64xi32, #tpu.memory_space<vmem>>, vector<1x16xi32>,
    %get3A_63 = vector.shape_cast %get3A_62 : vector<1x16xi32> to vector<16xi32>
    %swap3A_64 = arith.constant 32 : index
    %swap3A_65 = tpu.vector_load %arg7[%swap3A_64] {strides = array<i32>} : memref<64xi32, #tpu.memory_space<vmem>>, vector<16xi32>,
    %swap3A_66 = vector.shape_cast %swap3A_65 : vector<16xi32> to vector<16xi32>
    %swap3A_67 = vector.shape_cast %get3A_63 : vector<16xi32> to vector<16xi32>
    tpu.vector_store %arg7[%swap3A_64], %swap3A_67 {strides = array<i32>} : memref<64xi32, #tpu.memory_space<vmem>>, vector<16xi32>,
    %get3A_68 = arith.constant 1 : i32
    %get3A_69 = arith.index_cast %get3A_68 : i32 to index
    %get3A_70 = arith.constant 48 : index
    %get3A_71 = tpu.vector_load %arg5[%get3A_69, %get3A_70] {strides = array<i32>} : memref<32x64xi32, #tpu.memory_space<vmem>>, vector<1x16xi32>,
    %get3A_72 = vector.shape_cast %get3A_71 : vector<1x16xi32> to vector<16xi32>
    %swap3A_73 = arith.constant 48 : index
    %swap3A_74 = tpu.vector_load %arg7[%swap3A_73] {strides = array<i32>} : memref<64xi32, #tpu.memory_space<vmem>>, vector<16xi32>,
    %swap3A_75 = vector.shape_cast %swap3A_74 : vector<16xi32> to vector<16xi32>
    %swap3A_76 = vector.shape_cast %get3A_72 : vector<16xi32> to vector<16xi32>
    tpu.vector_store %arg7[%swap3A_73], %swap3A_76 {strides = array<i32>} : memref<64xi32, #tpu.memory_space<vmem>>, vector<16xi32>,
    %dma_start3A_77 = arith.constant 0 : i32
    %dma_start3A_78 = arith.constant 0 : i32
    %dma_start3A_79 = tpu.memref_slice %arg2[%dma_start3A_77, %dma_start3A_78] : memref<30522x768xf32, #tpu.memory_space<hbm>> -> memref<30522x768xf32, #tpu.memory_space<hbm>>
    tpu.enqueue_indirect_dma source(%dma_start3A_79 : memref<30522x768xf32, #tpu.memory_space<hbm>>) target(%arg9 : memref<64x768xf32, #tpu.memory_space<vmem>>) offsets(%arg7 : memref<64xi32, #tpu.memory_space<vmem>>) semaphore(%arg11 : memref<!tpu.dma_semaphore, #tpu.memory_space<semaphore_mem>>)
    %scan3A = arith.constant 0 : i32
    %scan3A_80 = arith.constant 0 : i32
    %scan3A_81 = arith.constant 16 : i32
    %scan3A_82 = arith.addi %scan3A_80, %scan3A_81 : i32
    %scan3A_83 = arith.constant 1 : i32
    scf.for %scan3A_85 = %scan3A_80 to %scan3A_82 step %scan3A_83  : i32 {
      %mul3A_86 = arith.constant 2 : i32
      %mul3A_87 = arith.muli %scan3A_85, %mul3A_86 : i32
      %add3A_88 = arith.constant 0 : i32
      %add3A_89 = arith.addi %mul3A_87, %add3A_88 : i32
      %dma_wait3A = arith.constant 0 : i32
      %dma_wait3A_90 = arith.constant 0 : i32
      %dma_wait3A_91 = tpu.memref_slice %arg2[%dma_wait3A, %dma_wait3A_90] : memref<30522x768xf32, #tpu.memory_space<hbm>> -> memref<30522x768xf32, #tpu.memory_space<hbm>>
      tpu.wait_indirect_dma semaphore(%arg10 : memref<!tpu.dma_semaphore, #tpu.memory_space<semaphore_mem>>) src(%dma_wait3A_91 : memref<30522x768xf32, #tpu.memory_space<hbm>>) dst(%arg8 : memref<64x768xf32, #tpu.memory_space<vmem>>)
      %mul3A_92 = arith.constant 64 : i32
      %mul3A_93 = arith.muli %add3A_89, %mul3A_92 : i32
      %add3A_94 = arith.addi %mul3A_2, %mul3A_93 : i32
      "tpu.region"() ({
        %run_scoped3A = tpu.sem_alloc : memref<!tpu.dma_semaphore, #tpu.memory_space<semaphore_mem>>
        %dma_start3A_112 = arith.constant 0 : i32
        %dma_start3A_113 = tpu.memref_slice %arg4[%add3A_94, %dma_start3A_112] : memref<65536x768xf32, #tpu.memory_space<hbm>> -> memref<64x768xf32, #tpu.memory_space<hbm>>
        %dma_start3A_114 = arith.constant 0 : i32
        %dma_start3A_115 = tpu.memref_slice %arg4[%add3A_94, %dma_start3A_114] : memref<65536x768xf32, #tpu.memory_space<hbm>> -> memref<64x768xf32, #tpu.memory_space<hbm>>
        tpu.enqueue_dma source(%arg8 : memref<64x768xf32, #tpu.memory_space<vmem>>) target(%dma_start3A_115 : memref<64x768xf32, #tpu.memory_space<hbm>>) target_semaphore(%run_scoped3A : memref<!tpu.dma_semaphore, #tpu.memory_space<semaphore_mem>>)
        %dma_wait3A_116 = arith.constant 0 : i32
        %dma_wait3A_117 = tpu.memref_slice %arg4[%add3A_94, %dma_wait3A_116] : memref<65536x768xf32, #tpu.memory_space<hbm>> -> memref<64x768xf32, #tpu.memory_space<hbm>>
        %dma_wait3A_118 = arith.constant 0 : i32
        %dma_wait3A_119 = tpu.memref_slice %arg4[%add3A_94, %dma_wait3A_118] : memref<65536x768xf32, #tpu.memory_space<hbm>> -> memref<64x768xf32, #tpu.memory_space<hbm>>
        tpu.wait_dma2 semaphore(%run_scoped3A : memref<!tpu.dma_semaphore, #tpu.memory_space<semaphore_mem>>) src(%arg8 : memref<64x768xf32, #tpu.memory_space<vmem>>) dst(%dma_wait3A_119 : memref<64x768xf32, #tpu.memory_space<hbm>>)
        tpu.yield
      }) : () -> ()
      %lt3A = arith.constant 15 : i32
      %lt3A_95 = arith.cmpi slt, %scan3A_85, %lt3A : i32
      %convert_element_type3A = arith.extui %lt3A_95 : i1 to i32
      %cond3A = arith.constant 0 : i32
      %cond3A_96 = arith.cmpi ne, %convert_element_type3A, %cond3A : i32
      scf.if %cond3A_96 {
        %add3A_112 = arith.constant 2 : i32
        %add3A_113 = arith.addi %add3A_89, %add3A_112 : i32
        %get3A_114 = arith.index_cast %add3A_113 : i32 to index
        %get3A_115 = arith.constant 0 : index
        %get3A_116 = tpu.vector_load %arg5[%get3A_114, %get3A_115] {strides = array<i32>} : memref<32x64xi32, #tpu.memory_space<vmem>>, vector<1x16xi32>,
        %get3A_117 = vector.shape_cast %get3A_116 : vector<1x16xi32> to vector<16xi32>
        %swap3A_118 = arith.constant 0 : index
        %swap3A_119 = tpu.vector_load %arg6[%swap3A_118] {strides = array<i32>} : memref<64xi32, #tpu.memory_space<vmem>>, vector<16xi32>,
        %swap3A_120 = vector.shape_cast %swap3A_119 : vector<16xi32> to vector<16xi32>
        %swap3A_121 = vector.shape_cast %get3A_117 : vector<16xi32> to vector<16xi32>
        tpu.vector_store %arg6[%swap3A_118], %swap3A_121 {strides = array<i32>} : memref<64xi32, #tpu.memory_space<vmem>>, vector<16xi32>,
        %get3A_122 = arith.index_cast %add3A_113 : i32 to index
        %get3A_123 = arith.constant 16 : index
        %get3A_124 = tpu.vector_load %arg5[%get3A_122, %get3A_123] {strides = array<i32>} : memref<32x64xi32, #tpu.memory_space<vmem>>, vector<1x16xi32>,
        %get3A_125 = vector.shape_cast %get3A_124 : vector<1x16xi32> to vector<16xi32>
        %swap3A_126 = arith.constant 16 : index
        %swap3A_127 = tpu.vector_load %arg6[%swap3A_126] {strides = array<i32>} : memref<64xi32, #tpu.memory_space<vmem>>, vector<16xi32>,
        %swap3A_128 = vector.shape_cast %swap3A_127 : vector<16xi32> to vector<16xi32>
        %swap3A_129 = vector.shape_cast %get3A_125 : vector<16xi32> to vector<16xi32>
        tpu.vector_store %arg6[%swap3A_126], %swap3A_129 {strides = array<i32>} : memref<64xi32, #tpu.memory_space<vmem>>, vector<16xi32>,
        %get3A_130 = arith.index_cast %add3A_113 : i32 to index
        %get3A_131 = arith.constant 32 : index
        %get3A_132 = tpu.vector_load %arg5[%get3A_130, %get3A_131] {strides = array<i32>} : memref<32x64xi32, #tpu.memory_space<vmem>>, vector<1x16xi32>,
        %get3A_133 = vector.shape_cast %get3A_132 : vector<1x16xi32> to vector<16xi32>
        %swap3A_134 = arith.constant 32 : index
        %swap3A_135 = tpu.vector_load %arg6[%swap3A_134] {strides = array<i32>} : memref<64xi32, #tpu.memory_space<vmem>>, vector<16xi32>,
        %swap3A_136 = vector.shape_cast %swap3A_135 : vector<16xi32> to vector<16xi32>
        %swap3A_137 = vector.shape_cast %get3A_133 : vector<16xi32> to vector<16xi32>
        tpu.vector_store %arg6[%swap3A_134], %swap3A_137 {strides = array<i32>} : memref<64xi32, #tpu.memory_space<vmem>>, vector<16xi32>,
        %get3A_138 = arith.index_cast %add3A_113 : i32 to index
        %get3A_139 = arith.constant 48 : index
        %get3A_140 = tpu.vector_load %arg5[%get3A_138, %get3A_139] {strides = array<i32>} : memref<32x64xi32, #tpu.memory_space<vmem>>, vector<1x16xi32>,
        %get3A_141 = vector.shape_cast %get3A_140 : vector<1x16xi32> to vector<16xi32>
        %swap3A_142 = arith.constant 48 : index
        %swap3A_143 = tpu.vector_load %arg6[%swap3A_142] {strides = array<i32>} : memref<64xi32, #tpu.memory_space<vmem>>, vector<16xi32>,
        %swap3A_144 = vector.shape_cast %swap3A_143 : vector<16xi32> to vector<16xi32>
        %swap3A_145 = vector.shape_cast %get3A_141 : vector<16xi32> to vector<16xi32>
        tpu.vector_store %arg6[%swap3A_142], %swap3A_145 {strides = array<i32>} : memref<64xi32, #tpu.memory_space<vmem>>, vector<16xi32>,
        %dma_start3A_146 = arith.constant 0 : i32
        %dma_start3A_147 = arith.constant 0 : i32
        %dma_start3A_148 = tpu.memref_slice %arg2[%dma_start3A_146, %dma_start3A_147] : memref<30522x768xf32, #tpu.memory_space<hbm>> -> memref<30522x768xf32, #tpu.memory_space<hbm>>
        tpu.enqueue_indirect_dma source(%dma_start3A_148 : memref<30522x768xf32, #tpu.memory_space<hbm>>) target(%arg8 : memref<64x768xf32, #tpu.memory_space<vmem>>) offsets(%arg6 : memref<64xi32, #tpu.memory_space<vmem>>) semaphore(%arg10 : memref<!tpu.dma_semaphore, #tpu.memory_space<semaphore_mem>>)
      } else {
      }
      %mul3A_97 = arith.constant 2 : i32
      %mul3A_98 = arith.muli %scan3A_85, %mul3A_97 : i32
      %add3A_99 = arith.constant 1 : i32
      %add3A_100 = arith.addi %mul3A_98, %add3A_99 : i32
      %dma_wait3A_101 = arith.constant 0 : i32
      %dma_wait3A_102 = arith.constant 0 : i32
      %dma_wait3A_103 = tpu.memref_slice %arg2[%dma_wait3A_101, %dma_wait3A_102] : memref<30522x768xf32, #tpu.memory_space<hbm>> -> memref<30522x768xf32, #tpu.memory_space<hbm>>
      tpu.wait_indirect_dma semaphore(%arg11 : memref<!tpu.dma_semaphore, #tpu.memory_space<semaphore_mem>>) src(%dma_wait3A_103 : memref<30522x768xf32, #tpu.memory_space<hbm>>) dst(%arg9 : memref<64x768xf32, #tpu.memory_space<vmem>>)
      %mul3A_104 = arith.constant 64 : i32
      %mul3A_105 = arith.muli %add3A_100, %mul3A_104 : i32
      %add3A_106 = arith.addi %mul3A_2, %mul3A_105 : i32
      "tpu.region"() ({
        %run_scoped3A = tpu.sem_alloc : memref<!tpu.dma_semaphore, #tpu.memory_space<semaphore_mem>>
        %dma_start3A_112 = arith.constant 0 : i32
        %dma_start3A_113 = tpu.memref_slice %arg4[%add3A_106, %dma_start3A_112] : memref<65536x768xf32, #tpu.memory_space<hbm>> -> memref<64x768xf32, #tpu.memory_space<hbm>>
        %dma_start3A_114 = arith.constant 0 : i32
        %dma_start3A_115 = tpu.memref_slice %arg4[%add3A_106, %dma_start3A_114] : memref<65536x768xf32, #tpu.memory_space<hbm>> -> memref<64x768xf32, #tpu.memory_space<hbm>>
        tpu.enqueue_dma source(%arg9 : memref<64x768xf32, #tpu.memory_space<vmem>>) target(%dma_start3A_115 : memref<64x768xf32, #tpu.memory_space<hbm>>) target_semaphore(%run_scoped3A : memref<!tpu.dma_semaphore, #tpu.memory_space<semaphore_mem>>)
        %dma_wait3A_116 = arith.constant 0 : i32
        %dma_wait3A_117 = tpu.memref_slice %arg4[%add3A_106, %dma_wait3A_116] : memref<65536x768xf32, #tpu.memory_space<hbm>> -> memref<64x768xf32, #tpu.memory_space<hbm>>
        %dma_wait3A_118 = arith.constant 0 : i32
        %dma_wait3A_119 = tpu.memref_slice %arg4[%add3A_106, %dma_wait3A_118] : memref<65536x768xf32, #tpu.memory_space<hbm>> -> memref<64x768xf32, #tpu.memory_space<hbm>>
        tpu.wait_dma2 semaphore(%run_scoped3A : memref<!tpu.dma_semaphore, #tpu.memory_space<semaphore_mem>>) src(%arg9 : memref<64x768xf32, #tpu.memory_space<vmem>>) dst(%dma_wait3A_119 : memref<64x768xf32, #tpu.memory_space<hbm>>)
        tpu.yield
      }) : () -> ()
      %lt3A_107 = arith.constant 15 : i32
      %lt3A_108 = arith.cmpi slt, %scan3A_85, %lt3A_107 : i32
      %convert_element_type3A_109 = arith.extui %lt3A_108 : i1 to i32
      %cond3A_110 = arith.constant 0 : i32
      %cond3A_111 = arith.cmpi ne, %convert_element_type3A_109, %cond3A_110 : i32
      scf.if %cond3A_111 {
        %add3A_112 = arith.constant 2 : i32
        %add3A_113 = arith.addi %add3A_100, %add3A_112 : i32
        %get3A_114 = arith.index_cast %add3A_113 : i32 to index
        %get3A_115 = arith.constant 0 : index
        %get3A_116 = tpu.vector_load %arg5[%get3A_114, %get3A_115] {strides = array<i32>} : memref<32x64xi32, #tpu.memory_space<vmem>>, vector<1x16xi32>,
        %get3A_117 = vector.shape_cast %get3A_116 : vector<1x16xi32> to vector<16xi32>
        %swap3A_118 = arith.constant 0 : index
        %swap3A_119 = tpu.vector_load %arg7[%swap3A_118] {strides = array<i32>} : memref<64xi32, #tpu.memory_space<vmem>>, vector<16xi32>,
        %swap3A_120 = vector.shape_cast %swap3A_119 : vector<16xi32> to vector<16xi32>
        %swap3A_121 = vector.shape_cast %get3A_117 : vector<16xi32> to vector<16xi32>
        tpu.vector_store %arg7[%swap3A_118], %swap3A_121 {strides = array<i32>} : memref<64xi32, #tpu.memory_space<vmem>>, vector<16xi32>,
        %get3A_122 = arith.index_cast %add3A_113 : i32 to index
        %get3A_123 = arith.constant 16 : index
        %get3A_124 = tpu.vector_load %arg5[%get3A_122, %get3A_123] {strides = array<i32>} : memref<32x64xi32, #tpu.memory_space<vmem>>, vector<1x16xi32>,
        %get3A_125 = vector.shape_cast %get3A_124 : vector<1x16xi32> to vector<16xi32>
        %swap3A_126 = arith.constant 16 : index
        %swap3A_127 = tpu.vector_load %arg7[%swap3A_126] {strides = array<i32>} : memref<64xi32, #tpu.memory_space<vmem>>, vector<16xi32>,
        %swap3A_128 = vector.shape_cast %swap3A_127 : vector<16xi32> to vector<16xi32>
        %swap3A_129 = vector.shape_cast %get3A_125 : vector<16xi32> to vector<16xi32>
        tpu.vector_store %arg7[%swap3A_126], %swap3A_129 {strides = array<i32>} : memref<64xi32, #tpu.memory_space<vmem>>, vector<16xi32>,
        %get3A_130 = arith.index_cast %add3A_113 : i32 to index
        %get3A_131 = arith.constant 32 : index
        %get3A_132 = tpu.vector_load %arg5[%get3A_130, %get3A_131] {strides = array<i32>} : memref<32x64xi32, #tpu.memory_space<vmem>>, vector<1x16xi32>,
        %get3A_133 = vector.shape_cast %get3A_132 : vector<1x16xi32> to vector<16xi32>
        %swap3A_134 = arith.constant 32 : index
        %swap3A_135 = tpu.vector_load %arg7[%swap3A_134] {strides = array<i32>} : memref<64xi32, #tpu.memory_space<vmem>>, vector<16xi32>,
        %swap3A_136 = vector.shape_cast %swap3A_135 : vector<16xi32> to vector<16xi32>
        %swap3A_137 = vector.shape_cast %get3A_133 : vector<16xi32> to vector<16xi32>
        tpu.vector_store %arg7[%swap3A_134], %swap3A_137 {strides = array<i32>} : memref<64xi32, #tpu.memory_space<vmem>>, vector<16xi32>,
        %get3A_138 = arith.index_cast %add3A_113 : i32 to index
        %get3A_139 = arith.constant 48 : index
        %get3A_140 = tpu.vector_load %arg5[%get3A_138, %get3A_139] {strides = array<i32>} : memref<32x64xi32, #tpu.memory_space<vmem>>, vector<1x16xi32>,
        %get3A_141 = vector.shape_cast %get3A_140 : vector<1x16xi32> to vector<16xi32>
        %swap3A_142 = arith.constant 48 : index
        %swap3A_143 = tpu.vector_load %arg7[%swap3A_142] {strides = array<i32>} : memref<64xi32, #tpu.memory_space<vmem>>, vector<16xi32>,
        %swap3A_144 = vector.shape_cast %swap3A_143 : vector<16xi32> to vector<16xi32>
        %swap3A_145 = vector.shape_cast %get3A_141 : vector<16xi32> to vector<16xi32>
        tpu.vector_store %arg7[%swap3A_142], %swap3A_145 {strides = array<i32>} : memref<64xi32, #tpu.memory_space<vmem>>, vector<16xi32>,
        %dma_start3A_146 = arith.constant 0 : i32
        %dma_start3A_147 = arith.constant 0 : i32
        %dma_start3A_148 = tpu.memref_slice %arg2[%dma_start3A_146, %dma_start3A_147] : memref<30522x768xf32, #tpu.memory_space<hbm>> -> memref<30522x768xf32, #tpu.memory_space<hbm>>
        tpu.enqueue_indirect_dma source(%dma_start3A_148 : memref<30522x768xf32, #tpu.memory_space<hbm>>) target(%arg9 : memref<64x768xf32, #tpu.memory_space<vmem>>) offsets(%arg7 : memref<64xi32, #tpu.memory_space<vmem>>) semaphore(%arg11 : memref<!tpu.dma_semaphore, #tpu.memory_space<semaphore_mem>>)
      } else {
      }
    }
    %scan3A_84 = arith.constant 16 : i32
    return
  }
}

#map = affine_map<(d0, d1) -> (0, 0)>
module attributes {stable_mosaic.version = 14 : i64} {
  func.func @body(%arg0: i32, %arg1: i32, %arg2: memref<30522x768xf32, #tpu.memory_space<hbm>>, %arg3: memref<1024x64xi32, #tpu.memory_space<hbm>>, %arg4: memref<65536x768xf32, #tpu.memory_space<hbm>>, %arg5: memref<32x64xi32, #tpu.memory_space<vmem>>, %arg6: memref<64xi32, #tpu.memory_space<vmem>>, %arg7: memref<64xi32, #tpu.memory_space<vmem>>, %arg8: memref<64x768xf32, #tpu.memory_space<vmem>>, %arg9: memref<64x768xf32, #tpu.memory_space<vmem>>, %arg10: memref<!tpu.dma_semaphore, #tpu.memory_space<semaphore_mem>>, %arg11: memref<!tpu.dma_semaphore, #tpu.memory_space<semaphore_mem>>) attributes {dimension_semantics = [#tpu.dimension_semantics<core_parallel>, #tpu.dimension_semantics<subcore_parallel>], iteration_bounds = array<i64: 2, 16>, scalar_prefetch = 0 : i64, scratch_operands = 7 : i64, tpu.core_type = #tpu.core_type<sc_vector_subcore>, window_params = [{transform_indices = #map}, {transform_indices = #map}, {transform_indices = #map}]} {
    %mul3A = arith.constant 2 : i32
    %mul3A_0 = arith.muli %arg1, %mul3A : i32
    %add3A = arith.addi %mul3A_0, %arg0 : i32
    %mul3A_1 = arith.constant 2048 : i32
    %mul3A_2 = arith.muli %add3A, %mul3A_1 : i32
    %mul3A_3 = arith.constant 32 : i32
    %mul3A_4 = arith.muli %add3A, %mul3A_3 : i32
    "tpu.region"() ({
      %run_scoped3A = tpu.sem_alloc : memref<!tpu.dma_semaphore, #tpu.memory_space<semaphore_mem>>
      %dma_start3A_85 = arith.constant 0 : i32
      %dma_start3A_86 = tpu.memref_slice %arg3[%mul3A_4, %dma_start3A_85] : memref<1024x64xi32, #tpu.memory_space<hbm>> -> memref<32x64xi32, #tpu.memory_space<hbm>>
      %dma_start3A_87 = arith.constant 0 : i32
      %dma_start3A_88 = tpu.memref_slice %arg3[%mul3A_4, %dma_start3A_87] : memref<1024x64xi32, #tpu.memory_space<hbm>> -> memref<32x64xi32, #tpu.memory_space<hbm>>
      tpu.enqueue_dma source(%dma_start3A_88 : memref<32x64xi32, #tpu.memory_space<hbm>>) target(%arg5 : memref<32x64xi32, #tpu.memory_space<vmem>>) target_semaphore(%run_scoped3A : memref<!tpu.dma_semaphore, #tpu.memory_space<semaphore_mem>>)
      %dma_wait3A = arith.constant 0 : i32
      %dma_wait3A_89 = tpu.memref_slice %arg3[%mul3A_4, %dma_wait3A] : memref<1024x64xi32, #tpu.memory_space<hbm>> -> memref<32x64xi32, #tpu.memory_space<hbm>>
      %dma_wait3A_90 = arith.constant 0 : i32
      %dma_wait3A_91 = tpu.memref_slice %arg3[%mul3A_4, %dma_wait3A_90] : memref<1024x64xi32, #tpu.memory_space<hbm>> -> memref<32x64xi32, #tpu.memory_space<hbm>>
      tpu.wait_dma2 semaphore(%run_scoped3A : memref<!tpu.dma_semaphore, #tpu.memory_space<semaphore_mem>>) src(%dma_wait3A_91 : memref<32x64xi32, #tpu.memory_space<hbm>>) dst(%arg5 : memref<32x64xi32, #tpu.memory_space<vmem>>)
      tpu.yield
    }) : () -> ()
    %get3A = arith.constant 0 : i32
    %get3A_5 = arith.index_cast %get3A : i32 to index
    %get3A_6 = arith.constant 0 : index
    %get3A_7 = tpu.vector_load %arg5[%get3A_5, %get3A_6] {strides = array<i32>} : memref<32x64xi32, #tpu.memory_space<vmem>>, vector<1x16xi32>,
    %get3A_8 = vector.shape_cast %get3A_7 : vector<1x16xi32> to vector<16xi32>
    %swap3A = arith.constant 0 : index
    %swap3A_9 = tpu.vector_load %arg6[%swap3A] {strides = array<i32>} : memref<64xi32, #tpu.memory_space<vmem>>, vector<16xi32>,
    %swap3A_10 = vector.shape_cast %swap3A_9 : vector<16xi32> to vector<16xi32>
    %swap3A_11 = vector.shape_cast %get3A_8 : vector<16xi32> to vector<16xi32>
    tpu.vector_store %arg6[%swap3A], %swap3A_11 {strides = array<i32>} : memref<64xi32, #tpu.memory_space<vmem>>, vector<16xi32>,
    %get3A_12 = arith.constant 0 : i32
    %get3A_13 = arith.index_cast %get3A_12 : i32 to index
    %get3A_14 = arith.constant 16 : index
    %get3A_15 = tpu.vector_load %arg5[%get3A_13, %get3A_14] {strides = array<i32>} : memref<32x64xi32, #tpu.memory_space<vmem>>, vector<1x16xi32>,
    %get3A_16 = vector.shape_cast %get3A_15 : vector<1x16xi32> to vector<16xi32>
    %swap3A_17 = arith.constant 16 : index
    %swap3A_18 = tpu.vector_load %arg6[%swap3A_17] {strides = array<i32>} : memref<64xi32, #tpu.memory_space<vmem>>, vector<16xi32>,
    %swap3A_19 = vector.shape_cast %swap3A_18 : vector<16xi32> to vector<16xi32>
    %swap3A_20 = vector.shape_cast %get3A_16 : vector<16xi32> to vector<16xi32>
    tpu.vector_store %arg6[%swap3A_17], %swap3A_20 {strides = array<i32>} : memref<64xi32, #tpu.memory_space<vmem>>, vector<16xi32>,
    %get3A_21 = arith.constant 0 : i32
    %get3A_22 = arith.index_cast %get3A_21 : i32 to index
    %get3A_23 = arith.constant 32 : index
    %get3A_24 = tpu.vector_load %arg5[%get3A_22, %get3A_23] {strides = array<i32>} : memref<32x64xi32, #tpu.memory_space<vmem>>, vector<1x16xi32>,
    %get3A_25 = vector.shape_cast %get3A_24 : vector<1x16xi32> to vector<16xi32>
    %swap3A_26 = arith.constant 32 : index
    %swap3A_27 = tpu.vector_load %arg6[%swap3A_26] {strides = array<i32>} : memref<64xi32, #tpu.memory_space<vmem>>, vector<16xi32>,
    %swap3A_28 = vector.shape_cast %swap3A_27 : vector<16xi32> to vector<16xi32>
    %swap3A_29 = vector.shape_cast %get3A_25 : vector<16xi32> to vector<16xi32>
    tpu.vector_store %arg6[%swap3A_26], %swap3A_29 {strides = array<i32>} : memref<64xi32, #tpu.memory_space<vmem>>, vector<16xi32>,
    %get3A_30 = arith.constant 0 : i32
    %get3A_31 = arith.index_cast %get3A_30 : i32 to index
    %get3A_32 = arith.constant 48 : index
    %get3A_33 = tpu.vector_load %arg5[%get3A_31, %get3A_32] {strides = array<i32>} : memref<32x64xi32, #tpu.memory_space<vmem>>, vector<1x16xi32>,
    %get3A_34 = vector.shape_cast %get3A_33 : vector<1x16xi32> to vector<16xi32>
    %swap3A_35 = arith.constant 48 : index
    %swap3A_36 = tpu.vector_load %arg6[%swap3A_35] {strides = array<i32>} : memref<64xi32, #tpu.memory_space<vmem>>, vector<16xi32>,
    %swap3A_37 = vector.shape_cast %swap3A_36 : vector<16xi32> to vector<16xi32>
    %swap3A_38 = vector.shape_cast %get3A_34 : vector<16xi32> to vector<16xi32>
    tpu.vector_store %arg6[%swap3A_35], %swap3A_38 {strides = array<i32>} : memref<64xi32, #tpu.memory_space<vmem>>, vector<16xi32>,
    %dma_start3A = arith.constant 0 : i32
    %dma_start3A_39 = arith.constant 0 : i32
    %dma_start3A_40 = tpu.memref_slice %arg2[%dma_start3A, %dma_start3A_39] : memref<30522x768xf32, #tpu.memory_space<hbm>> -> memref<30522x768xf32, #tpu.memory_space<hbm>>
    tpu.enqueue_indirect_dma source(%dma_start3A_40 : memref<30522x768xf32, #tpu.memory_space<hbm>>) target(%arg8 : memref<64x768xf32, #tpu.memory_space<vmem>>) offsets(%arg6 : memref<64xi32, #tpu.memory_space<vmem>>) semaphore(%arg10 : memref<!tpu.dma_semaphore, #tpu.memory_space<semaphore_mem>>)
    %get3A_41 = arith.constant 1 : i32
    %get3A_42 = arith.index_cast %get3A_41 : i32 to index
    %get3A_43 = arith.constant 0 : index
    %get3A_44 = tpu.vector_load %arg5[%get3A_42, %get3A_43] {strides = array<i32>} : memref<32x64xi32, #tpu.memory_space<vmem>>, vector<1x16xi32>,
    %get3A_45 = vector.shape_cast %get3A_44 : vector<1x16xi32> to vector<16xi32>
    %swap3A_46 = arith.constant 0 : index
    %swap3A_47 = tpu.vector_load %arg7[%swap3A_46] {strides = array<i32>} : memref<64xi32, #tpu.memory_space<vmem>>, vector<16xi32>,
    %swap3A_48 = vector.shape_cast %swap3A_47 : vector<16xi32> to vector<16xi32>
    %swap3A_49 = vector.shape_cast %get3A_45 : vector<16xi32> to vector<16xi32>
    tpu.vector_store %arg7[%swap3A_46], %swap3A_49 {strides = array<i32>} : memref<64xi32, #tpu.memory_space<vmem>>, vector<16xi32>,
    %get3A_50 = arith.constant 1 : i32
    %get3A_51 = arith.index_cast %get3A_50 : i32 to index
    %get3A_52 = arith.constant 16 : index
    %get3A_53 = tpu.vector_load %arg5[%get3A_51, %get3A_52] {strides = array<i32>} : memref<32x64xi32, #tpu.memory_space<vmem>>, vector<1x16xi32>,
    %get3A_54 = vector.shape_cast %get3A_53 : vector<1x16xi32> to vector<16xi32>
    %swap3A_55 = arith.constant 16 : index
    %swap3A_56 = tpu.vector_load %arg7[%swap3A_55] {strides = array<i32>} : memref<64xi32, #tpu.memory_space<vmem>>, vector<16xi32>,
    %swap3A_57 = vector.shape_cast %swap3A_56 : vector<16xi32> to vector<16xi32>
    %swap3A_58 = vector.shape_cast %get3A_54 : vector<16xi32> to vector<16xi32>
    tpu.vector_store %arg7[%swap3A_55], %swap3A_58 {strides = array<i32>} : memref<64xi32, #tpu.memory_space<vmem>>, vector<16xi32>,
    %get3A_59 = arith.constant 1 : i32
    %get3A_60 = arith.index_cast %get3A_59 : i32 to index
    %get3A_61 = arith.constant 32 : index
    %get3A_62 = tpu.vector_load %arg5[%get3A_60, %get3A_61] {strides = array<i32>} : memref<32x64xi32, #tpu.memory_space<vmem>>, vector<1x16xi32>,
    %get3A_63 = vector.shape_cast %get3A_62 : vector<1x16xi32> to vector<16xi32>
    %swap3A_64 = arith.constant 32 : index
    %swap3A_65 = tpu.vector_load %arg7[%swap3A_64] {strides = array<i32>} : memref<64xi32, #tpu.memory_space<vmem>>, vector<16xi32>,
    %swap3A_66 = vector.shape_cast %swap3A_65 : vector<16xi32> to vector<16xi32>
    %swap3A_67 = vector.shape_cast %get3A_63 : vector<16xi32> to vector<16xi32>
    tpu.vector_store %arg7[%swap3A_64], %swap3A_67 {strides = array<i32>} : memref<64xi32, #tpu.memory_space<vmem>>, vector<16xi32>,
    %get3A_68 = arith.constant 1 : i32
    %get3A_69 = arith.index_cast %get3A_68 : i32 to index
    %get3A_70 = arith.constant 48 : index
    %get3A_71 = tpu.vector_load %arg5[%get3A_69, %get3A_70] {strides = array<i32>} : memref<32x64xi32, #tpu.memory_space<vmem>>, vector<1x16xi32>,
    %get3A_72 = vector.shape_cast %get3A_71 : vector<1x16xi32> to vector<16xi32>
    %swap3A_73 = arith.constant 48 : index
    %swap3A_74 = tpu.vector_load %arg7[%swap3A_73] {strides = array<i32>} : memref<64xi32, #tpu.memory_space<vmem>>, vector<16xi32>,
    %swap3A_75 = vector.shape_cast %swap3A_74 : vector<16xi32> to vector<16xi32>
    %swap3A_76 = vector.shape_cast %get3A_72 : vector<16xi32> to vector<16xi32>
    tpu.vector_store %arg7[%swap3A_73], %swap3A_76 {strides = array<i32>} : memref<64xi32, #tpu.memory_space<vmem>>, vector<16xi32>,
    %dma_start3A_77 = arith.constant 0 : i32
    %dma_start3A_78 = arith.constant 0 : i32
    %dma_start3A_79 = tpu.memref_slice %arg2[%dma_start3A_77, %dma_start3A_78] : memref<30522x768xf32, #tpu.memory_space<hbm>> -> memref<30522x768xf32, #tpu.memory_space<hbm>>
    tpu.enqueue_indirect_dma source(%dma_start3A_79 : memref<30522x768xf32, #tpu.memory_space<hbm>>) target(%arg9 : memref<64x768xf32, #tpu.memory_space<vmem>>) offsets(%arg7 : memref<64xi32, #tpu.memory_space<vmem>>) semaphore(%arg11 : memref<!tpu.dma_semaphore, #tpu.memory_space<semaphore_mem>>)
    %scan3A = arith.constant 0 : i32
    %scan3A_80 = arith.constant 0 : i32
    %scan3A_81 = arith.constant 16 : i32
    %scan3A_82 = arith.addi %scan3A_80, %scan3A_81 : i32
    %scan3A_83 = arith.constant 1 : i32
    scf.for %scan3A_85 = %scan3A_80 to %scan3A_82 step %scan3A_83  : i32 {
      %mul3A_86 = arith.constant 2 : i32
      %mul3A_87 = arith.muli %scan3A_85, %mul3A_86 : i32
      %add3A_88 = arith.constant 0 : i32
      %add3A_89 = arith.addi %mul3A_87, %add3A_88 : i32
      %dma_wait3A = arith.constant 0 : i32
      %dma_wait3A_90 = arith.constant 0 : i32
      %dma_wait3A_91 = tpu.memref_slice %arg2[%dma_wait3A, %dma_wait3A_90] : memref<30522x768xf32, #tpu.memory_space<hbm>> -> memref<30522x768xf32, #tpu.memory_space<hbm>>
      tpu.wait_indirect_dma semaphore(%arg10 : memref<!tpu.dma_semaphore, #tpu.memory_space<semaphore_mem>>) src(%dma_wait3A_91 : memref<30522x768xf32, #tpu.memory_space<hbm>>) dst(%arg8 : memref<64x768xf32, #tpu.memory_space<vmem>>)
      %mul3A_92 = arith.constant 64 : i32
      %mul3A_93 = arith.muli %add3A_89, %mul3A_92 : i32
      %add3A_94 = arith.addi %mul3A_2, %mul3A_93 : i32
      "tpu.region"() ({
        %run_scoped3A = tpu.sem_alloc : memref<!tpu.dma_semaphore, #tpu.memory_space<semaphore_mem>>
        %dma_start3A_112 = arith.constant 0 : i32
        %dma_start3A_113 = tpu.memref_slice %arg4[%add3A_94, %dma_start3A_112] : memref<65536x768xf32, #tpu.memory_space<hbm>> -> memref<64x768xf32, #tpu.memory_space<hbm>>
        %dma_start3A_114 = arith.constant 0 : i32
        %dma_start3A_115 = tpu.memref_slice %arg4[%add3A_94, %dma_start3A_114] : memref<65536x768xf32, #tpu.memory_space<hbm>> -> memref<64x768xf32, #tpu.memory_space<hbm>>
        tpu.enqueue_dma source(%arg8 : memref<64x768xf32, #tpu.memory_space<vmem>>) target(%dma_start3A_115 : memref<64x768xf32, #tpu.memory_space<hbm>>) target_semaphore(%run_scoped3A : memref<!tpu.dma_semaphore, #tpu.memory_space<semaphore_mem>>)
        %dma_wait3A_116 = arith.constant 0 : i32
        %dma_wait3A_117 = tpu.memref_slice %arg4[%add3A_94, %dma_wait3A_116] : memref<65536x768xf32, #tpu.memory_space<hbm>> -> memref<64x768xf32, #tpu.memory_space<hbm>>
        %dma_wait3A_118 = arith.constant 0 : i32
        %dma_wait3A_119 = tpu.memref_slice %arg4[%add3A_94, %dma_wait3A_118] : memref<65536x768xf32, #tpu.memory_space<hbm>> -> memref<64x768xf32, #tpu.memory_space<hbm>>
        tpu.wait_dma2 semaphore(%run_scoped3A : memref<!tpu.dma_semaphore, #tpu.memory_space<semaphore_mem>>) src(%arg8 : memref<64x768xf32, #tpu.memory_space<vmem>>) dst(%dma_wait3A_119 : memref<64x768xf32, #tpu.memory_space<hbm>>)
        tpu.yield
      }) : () -> ()
      %lt3A = arith.constant 15 : i32
      %lt3A_95 = arith.cmpi slt, %scan3A_85, %lt3A : i32
      %convert_element_type3A = arith.extui %lt3A_95 : i1 to i32
      %cond3A = arith.constant 0 : i32
      %cond3A_96 = arith.cmpi ne, %convert_element_type3A, %cond3A : i32
      scf.if %cond3A_96 {
        %add3A_112 = arith.constant 2 : i32
        %add3A_113 = arith.addi %add3A_89, %add3A_112 : i32
        %get3A_114 = arith.index_cast %add3A_113 : i32 to index
        %get3A_115 = arith.constant 0 : index
        %get3A_116 = tpu.vector_load %arg5[%get3A_114, %get3A_115] {strides = array<i32>} : memref<32x64xi32, #tpu.memory_space<vmem>>, vector<1x16xi32>,
        %get3A_117 = vector.shape_cast %get3A_116 : vector<1x16xi32> to vector<16xi32>
        %swap3A_118 = arith.constant 0 : index
        %swap3A_119 = tpu.vector_load %arg6[%swap3A_118] {strides = array<i32>} : memref<64xi32, #tpu.memory_space<vmem>>, vector<16xi32>,
        %swap3A_120 = vector.shape_cast %swap3A_119 : vector<16xi32> to vector<16xi32>
        %swap3A_121 = vector.shape_cast %get3A_117 : vector<16xi32> to vector<16xi32>
        tpu.vector_store %arg6[%swap3A_118], %swap3A_121 {strides = array<i32>} : memref<64xi32, #tpu.memory_space<vmem>>, vector<16xi32>,
        %get3A_122 = arith.index_cast %add3A_113 : i32 to index
        %get3A_123 = arith.constant 16 : index
        %get3A_124 = tpu.vector_load %arg5[%get3A_122, %get3A_123] {strides = array<i32>} : memref<32x64xi32, #tpu.memory_space<vmem>>, vector<1x16xi32>,
        %get3A_125 = vector.shape_cast %get3A_124 : vector<1x16xi32> to vector<16xi32>
        %swap3A_126 = arith.constant 16 : index
        %swap3A_127 = tpu.vector_load %arg6[%swap3A_126] {strides = array<i32>} : memref<64xi32, #tpu.memory_space<vmem>>, vector<16xi32>,
        %swap3A_128 = vector.shape_cast %swap3A_127 : vector<16xi32> to vector<16xi32>
        %swap3A_129 = vector.shape_cast %get3A_125 : vector<16xi32> to vector<16xi32>
        tpu.vector_store %arg6[%swap3A_126], %swap3A_129 {strides = array<i32>} : memref<64xi32, #tpu.memory_space<vmem>>, vector<16xi32>,
        %get3A_130 = arith.index_cast %add3A_113 : i32 to index
        %get3A_131 = arith.constant 32 : index
        %get3A_132 = tpu.vector_load %arg5[%get3A_130, %get3A_131] {strides = array<i32>} : memref<32x64xi32, #tpu.memory_space<vmem>>, vector<1x16xi32>,
        %get3A_133 = vector.shape_cast %get3A_132 : vector<1x16xi32> to vector<16xi32>
        %swap3A_134 = arith.constant 32 : index
        %swap3A_135 = tpu.vector_load %arg6[%swap3A_134] {strides = array<i32>} : memref<64xi32, #tpu.memory_space<vmem>>, vector<16xi32>,
        %swap3A_136 = vector.shape_cast %swap3A_135 : vector<16xi32> to vector<16xi32>
        %swap3A_137 = vector.shape_cast %get3A_133 : vector<16xi32> to vector<16xi32>
        tpu.vector_store %arg6[%swap3A_134], %swap3A_137 {strides = array<i32>} : memref<64xi32, #tpu.memory_space<vmem>>, vector<16xi32>,
        %get3A_138 = arith.index_cast %add3A_113 : i32 to index
        %get3A_139 = arith.constant 48 : index
        %get3A_140 = tpu.vector_load %arg5[%get3A_138, %get3A_139] {strides = array<i32>} : memref<32x64xi32, #tpu.memory_space<vmem>>, vector<1x16xi32>,
        %get3A_141 = vector.shape_cast %get3A_140 : vector<1x16xi32> to vector<16xi32>
        %swap3A_142 = arith.constant 48 : index
        %swap3A_143 = tpu.vector_load %arg6[%swap3A_142] {strides = array<i32>} : memref<64xi32, #tpu.memory_space<vmem>>, vector<16xi32>,
        %swap3A_144 = vector.shape_cast %swap3A_143 : vector<16xi32> to vector<16xi32>
        %swap3A_145 = vector.shape_cast %get3A_141 : vector<16xi32> to vector<16xi32>
        tpu.vector_store %arg6[%swap3A_142], %swap3A_145 {strides = array<i32>} : memref<64xi32, #tpu.memory_space<vmem>>, vector<16xi32>,
        %dma_start3A_146 = arith.constant 0 : i32
        %dma_start3A_147 = arith.constant 0 : i32
        %dma_start3A_148 = tpu.memref_slice %arg2[%dma_start3A_146, %dma_start3A_147] : memref<30522x768xf32, #tpu.memory_space<hbm>> -> memref<30522x768xf32, #tpu.memory_space<hbm>>
        tpu.enqueue_indirect_dma source(%dma_start3A_148 : memref<30522x768xf32, #tpu.memory_space<hbm>>) target(%arg8 : memref<64x768xf32, #tpu.memory_space<vmem>>) offsets(%arg6 : memref<64xi32, #tpu.memory_space<vmem>>) semaphore(%arg10 : memref<!tpu.dma_semaphore, #tpu.memory_space<semaphore_mem>>)
      } else {
      }
      %mul3A_97 = arith.constant 2 : i32
      %mul3A_98 = arith.muli %scan3A_85, %mul3A_97 : i32
      %add3A_99 = arith.constant 1 : i32
      %add3A_100 = arith.addi %mul3A_98, %add3A_99 : i32
      %dma_wait3A_101 = arith.constant 0 : i32
      %dma_wait3A_102 = arith.constant 0 : i32
      %dma_wait3A_103 = tpu.memref_slice %arg2[%dma_wait3A_101, %dma_wait3A_102] : memref<30522x768xf32, #tpu.memory_space<hbm>> -> memref<30522x768xf32, #tpu.memory_space<hbm>>
      tpu.wait_indirect_dma semaphore(%arg11 : memref<!tpu.dma_semaphore, #tpu.memory_space<semaphore_mem>>) src(%dma_wait3A_103 : memref<30522x768xf32, #tpu.memory_space<hbm>>) dst(%arg9 : memref<64x768xf32, #tpu.memory_space<vmem>>)
      %mul3A_104 = arith.constant 64 : i32
      %mul3A_105 = arith.muli %add3A_100, %mul3A_104 : i32
      %add3A_106 = arith.addi %mul3A_2, %mul3A_105 : i32
      "tpu.region"() ({
        %run_scoped3A = tpu.sem_alloc : memref<!tpu.dma_semaphore, #tpu.memory_space<semaphore_mem>>
        %dma_start3A_112 = arith.constant 0 : i32
        %dma_start3A_113 = tpu.memref_slice %arg4[%add3A_106, %dma_start3A_112] : memref<65536x768xf32, #tpu.memory_space<hbm>> -> memref<64x768xf32, #tpu.memory_space<hbm>>
        %dma_start3A_114 = arith.constant 0 : i32
        %dma_start3A_115 = tpu.memref_slice %arg4[%add3A_106, %dma_start3A_114] : memref<65536x768xf32, #tpu.memory_space<hbm>> -> memref<64x768xf32, #tpu.memory_space<hbm>>
        tpu.enqueue_dma source(%arg9 : memref<64x768xf32, #tpu.memory_space<vmem>>) target(%dma_start3A_115 : memref<64x768xf32, #tpu.memory_space<hbm>>) target_semaphore(%run_scoped3A : memref<!tpu.dma_semaphore, #tpu.memory_space<semaphore_mem>>)
        %dma_wait3A_116 = arith.constant 0 : i32
        %dma_wait3A_117 = tpu.memref_slice %arg4[%add3A_106, %dma_wait3A_116] : memref<65536x768xf32, #tpu.memory_space<hbm>> -> memref<64x768xf32, #tpu.memory_space<hbm>>
        %dma_wait3A_118 = arith.constant 0 : i32
        %dma_wait3A_119 = tpu.memref_slice %arg4[%add3A_106, %dma_wait3A_118] : memref<65536x768xf32, #tpu.memory_space<hbm>> -> memref<64x768xf32, #tpu.memory_space<hbm>>
        tpu.wait_dma2 semaphore(%run_scoped3A : memref<!tpu.dma_semaphore, #tpu.memory_space<semaphore_mem>>) src(%arg9 : memref<64x768xf32, #tpu.memory_space<vmem>>) dst(%dma_wait3A_119 : memref<64x768xf32, #tpu.memory_space<hbm>>)
        tpu.yield
      }) : () -> ()
      %lt3A_107 = arith.constant 15 : i32
      %lt3A_108 = arith.cmpi slt, %scan3A_85, %lt3A_107 : i32
      %convert_element_type3A_109 = arith.extui %lt3A_108 : i1 to i32
      %cond3A_110 = arith.constant 0 : i32
      %cond3A_111 = arith.cmpi ne, %convert_element_type3A_109, %cond3A_110 : i32
      scf.if %cond3A_111 {
        %add3A_112 = arith.constant 2 : i32
        %add3A_113 = arith.addi %add3A_100, %add3A_112 : i32
        %get3A_114 = arith.index_cast %add3A_113 : i32 to index
        %get3A_115 = arith.constant 0 : index
        %get3A_116 = tpu.vector_load %arg5[%get3A_114, %get3A_115] {strides = array<i32>} : memref<32x64xi32, #tpu.memory_space<vmem>>, vector<1x16xi32>,
        %get3A_117 = vector.shape_cast %get3A_116 : vector<1x16xi32> to vector<16xi32>
        %swap3A_118 = arith.constant 0 : index
        %swap3A_119 = tpu.vector_load %arg7[%swap3A_118] {strides = array<i32>} : memref<64xi32, #tpu.memory_space<vmem>>, vector<16xi32>,
        %swap3A_120 = vector.shape_cast %swap3A_119 : vector<16xi32> to vector<16xi32>
        %swap3A_121 = vector.shape_cast %get3A_117 : vector<16xi32> to vector<16xi32>
        tpu.vector_store %arg7[%swap3A_118], %swap3A_121 {strides = array<i32>} : memref<64xi32, #tpu.memory_space<vmem>>, vector<16xi32>,
        %get3A_122 = arith.index_cast %add3A_113 : i32 to index
        %get3A_123 = arith.constant 16 : index
        %get3A_124 = tpu.vector_load %arg5[%get3A_122, %get3A_123] {strides = array<i32>} : memref<32x64xi32, #tpu.memory_space<vmem>>, vector<1x16xi32>,
        %get3A_125 = vector.shape_cast %get3A_124 : vector<1x16xi32> to vector<16xi32>
        %swap3A_126 = arith.constant 16 : index
        %swap3A_127 = tpu.vector_load %arg7[%swap3A_126] {strides = array<i32>} : memref<64xi32, #tpu.memory_space<vmem>>, vector<16xi32>,
        %swap3A_128 = vector.shape_cast %swap3A_127 : vector<16xi32> to vector<16xi32>
        %swap3A_129 = vector.shape_cast %get3A_125 : vector<16xi32> to vector<16xi32>
        tpu.vector_store %arg7[%swap3A_126], %swap3A_129 {strides = array<i32>} : memref<64xi32, #tpu.memory_space<vmem>>, vector<16xi32>,
        %get3A_130 = arith.index_cast %add3A_113 : i32 to index
        %get3A_131 = arith.constant 32 : index
        %get3A_132 = tpu.vector_load %arg5[%get3A_130, %get3A_131] {strides = array<i32>} : memref<32x64xi32, #tpu.memory_space<vmem>>, vector<1x16xi32>,
        %get3A_133 = vector.shape_cast %get3A_132 : vector<1x16xi32> to vector<16xi32>
        %swap3A_134 = arith.constant 32 : index
        %swap3A_135 = tpu.vector_load %arg7[%swap3A_134] {strides = array<i32>} : memref<64xi32, #tpu.memory_space<vmem>>, vector<16xi32>,
        %swap3A_136 = vector.shape_cast %swap3A_135 : vector<16xi32> to vector<16xi32>
        %swap3A_137 = vector.shape_cast %get3A_133 : vector<16xi32> to vector<16xi32>
        tpu.vector_store %arg7[%swap3A_134], %swap3A_137 {strides = array<i32>} : memref<64xi32, #tpu.memory_space<vmem>>, vector<16xi32>,
        %get3A_138 = arith.index_cast %add3A_113 : i32 to index
        %get3A_139 = arith.constant 48 : index
        %get3A_140 = tpu.vector_load %arg5[%get3A_138, %get3A_139] {strides = array<i32>} : memref<32x64xi32, #tpu.memory_space<vmem>>, vector<1x16xi32>,
        %get3A_141 = vector.shape_cast %get3A_140 : vector<1x16xi32> to vector<16xi32>
        %swap3A_142 = arith.constant 48 : index
        %swap3A_143 = tpu.vector_load %arg7[%swap3A_142] {strides = array<i32>} : memref<64xi32, #tpu.memory_space<vmem>>, vector<16xi32>,
        %swap3A_144 = vector.shape_cast %swap3A_143 : vector<16xi32> to vector<16xi32>
        %swap3A_145 = vector.shape_cast %get3A_141 : vector<16xi32> to vector<16xi32>
        tpu.vector_store %arg7[%swap3A_142], %swap3A_145 {strides = array<i32>} : memref<64xi32, #tpu.memory_space<vmem>>, vector<16xi32>,
        %dma_start3A_146 = arith.constant 0 : i32
        %dma_start3A_147 = arith.constant 0 : i32
        %dma_start3A_148 = tpu.memref_slice %arg2[%dma_start3A_146, %dma_start3A_147] : memref<30522x768xf32, #tpu.memory_space<hbm>> -> memref<30522x768xf32, #tpu.memory_space<hbm>>
        tpu.enqueue_indirect_dma source(%dma_start3A_148 : memref<30522x768xf32, #tpu.memory_space<hbm>>) target(%arg9 : memref<64x768xf32, #tpu.memory_space<vmem>>) offsets(%arg7 : memref<64xi32, #tpu.memory_space<vmem>>) semaphore(%arg11 : memref<!tpu.dma_semaphore, #tpu.memory_space<semaphore_mem>>)
      } else {
      }
    }
    %scan3A_84 = arith.constant 16 : i32
    return
  }
}

module attributes {stable_mosaic.version = 14 : i64} {
  func.func @_vis_body(%arg0: i32, %arg1: memref<1024x2048xf32, #tpu.memory_space<vmem>>, %arg2: memref<768x2048xf32, #tpu.memory_space<vmem>>, %arg3: memref<8x768xf32, #tpu.memory_space<vmem>>, %arg4: memref<768xf32, #tpu.memory_space<vmem>>, %arg5: memref<768xf32, #tpu.memory_space<vmem>>, %arg6: memref<1024x768xf32, #tpu.memory_space<vmem>>) attributes {dimension_semantics = [#tpu.dimension_semantics<arbitrary>], iteration_bounds = array<i64: 36>, scalar_prefetch = 0 : i64, scratch_operands = 0 : i64, tpu.core_type = #tpu.core_type<tc>, window_params = [{transform_indices = @transform_0, window_bounds = array<i64: 1024, 2048>}, {pipeline_mode = #tpu.pipeline_mode<synchronous>, transform_indices = @transform_1, window_bounds = array<i64: 768, 2048>}, {pipeline_mode = #tpu.pipeline_mode<synchronous>, transform_indices = @transform_2, window_bounds = array<i64: 8, 768>}, {pipeline_mode = #tpu.pipeline_mode<synchronous>, transform_indices = @transform_3, window_bounds = array<i64: 768>}, {pipeline_mode = #tpu.pipeline_mode<synchronous>, transform_indices = @transform_4, window_bounds = array<i64: 768>}, {transform_indices = @transform_5, window_bounds = array<i64: 1024, 768>}]} {
    %get3A = arith.constant 0 : index
    %get3A_0 = arith.constant 0 : index
    %get3A_1 = vector.load %arg1[%get3A, %get3A_0] : memref<1024x2048xf32, #tpu.memory_space<vmem>>, vector<1024x2048xf32>
    %get3A_2 = arith.constant 0 : index
    %get3A_3 = arith.constant 0 : index
    %get3A_4 = vector.load %arg2[%get3A_2, %get3A_3] : memref<768x2048xf32, #tpu.memory_space<vmem>>, vector<768x2048xf32>
    %dot_general3A = arith.constant dense<0.000000e+00> : vector<1024x768xf32>
    %dot_general3A_5 = tpu.matmul %get3A_1, %get3A_4, %dot_general3A {dimension_numbers = #tpu.dot_dimension_numbers<[1], [1], [0], [0], [0, 0, 1, 0], [], []>, transpose_lhs_hint = false} : vector<1024x2048xf32>, vector<768x2048xf32>, vector<1024x768xf32> -> vector<1024x768xf32>
    %get3A_6 = arith.constant 0 : index
    %get3A_7 = arith.constant 0 : index
    %get3A_8 = vector.load %arg3[%get3A_6, %get3A_7] : memref<8x768xf32, #tpu.memory_space<vmem>>, vector<1x768xf32>
    %get3A_9 = vector.shape_cast %get3A_8 : vector<1x768xf32> to vector<768xf32>
    %broadcast_in_dim3A = vector.shape_cast %get3A_9 : vector<768xf32> to vector<1x768xf32>
    %add3A = vector.broadcast %broadcast_in_dim3A : vector<1x768xf32> to vector<1024x768xf32>
    %add3A_10 = arith.addf %dot_general3A_5, %add3A : vector<1024x768xf32>
    %get3A_11 = arith.constant 0 : index
    %get3A_12 = vector.load %arg4[%get3A_11] : memref<768xf32, #tpu.memory_space<vmem>>, vector<768xf32>
    %get3A_13 = arith.constant 0 : index
    %get3A_14 = vector.load %arg5[%get3A_13] : memref<768xf32, #tpu.memory_space<vmem>>, vector<768xf32>
    %reduce_sum3A = arith.constant dense<0.000000e+00> : vector<1024xf32>
    %reduce_sum3A_15 = vector.multi_reduction <add>, %add3A_10, %reduce_sum3A [1] : vector<1024x768xf32> to vector<1024xf32>
    %broadcast_in_dim3A_16 = vector.shape_cast %reduce_sum3A_15 : vector<1024xf32> to vector<1024x1xf32>
    %div3A = arith.constant 7.680000e+02 : f32
    %div3A_17 = vector.broadcast %div3A : f32 to vector<1024x1xf32>
    %div3A_18 = arith.divf %broadcast_in_dim3A_16, %div3A_17 : vector<1024x1xf32>
    %sub3A = vector.broadcast %div3A_18 : vector<1024x1xf32> to vector<1024x768xf32>
    %sub3A_19 = arith.subf %add3A_10, %sub3A : vector<1024x768xf32>
    %integer_pow3A = arith.mulf %sub3A_19, %sub3A_19 : vector<1024x768xf32>
    %reduce_sum3A_20 = arith.constant dense<0.000000e+00> : vector<1024xf32>
    %reduce_sum3A_21 = vector.multi_reduction <add>, %integer_pow3A, %reduce_sum3A_20 [1] : vector<1024x768xf32> to vector<1024xf32>
    %broadcast_in_dim3A_22 = vector.shape_cast %reduce_sum3A_21 : vector<1024xf32> to vector<1024x1xf32>
    %div3A_23 = arith.constant 7.680000e+02 : f32
    %div3A_24 = vector.broadcast %div3A_23 : f32 to vector<1024x1xf32>
    %div3A_25 = arith.divf %broadcast_in_dim3A_22, %div3A_24 : vector<1024x1xf32>
    %sub3A_26 = vector.broadcast %div3A_18 : vector<1024x1xf32> to vector<1024x768xf32>
    %sub3A_27 = arith.subf %add3A_10, %sub3A_26 : vector<1024x768xf32>
    %add3A_28 = arith.constant 9.99999996E-13 : f32
    %add3A_29 = vector.broadcast %add3A_28 : f32 to vector<1024x1xf32>
    %add3A_30 = arith.addf %div3A_25, %add3A_29 : vector<1024x1xf32>
    %sqrt3A = math.sqrt %add3A_30 : vector<1024x1xf32>
    %div3A_31 = vector.broadcast %sqrt3A : vector<1024x1xf32> to vector<1024x768xf32>
    %div3A_32 = arith.divf %sub3A_27, %div3A_31 : vector<1024x768xf32>
    %broadcast_in_dim3A_33 = vector.shape_cast %get3A_12 : vector<768xf32> to vector<1x768xf32>
    %mul3A = vector.broadcast %broadcast_in_dim3A_33 : vector<1x768xf32> to vector<1024x768xf32>
    %mul3A_34 = arith.mulf %div3A_32, %mul3A : vector<1024x768xf32>
    %broadcast_in_dim3A_35 = vector.shape_cast %get3A_14 : vector<768xf32> to vector<1x768xf32>
    %add3A_36 = vector.broadcast %broadcast_in_dim3A_35 : vector<1x768xf32> to vector<1024x768xf32>
    %add3A_37 = arith.addf %mul3A_34, %add3A_36 : vector<1024x768xf32>
    %swap3A = arith.constant 0 : index
    %swap3A_38 = arith.constant 0 : index
    %swap3A_39 = vector.load %arg6[%swap3A, %swap3A_38] : memref<1024x768xf32, #tpu.memory_space<vmem>>, vector<1024x768xf32>
    tpu.vector_store %arg6[%swap3A, %swap3A_38], %add3A_37 {strides = array<i32>} : memref<1024x768xf32, #tpu.memory_space<vmem>>, vector<1024x768xf32>,
    return
  }
  func.func @transform_0(%arg0: i32) -> (i32, i32) {
    %c0_i32 = arith.constant 0 : i32
    %c0_i32_0 = arith.constant 0 : i32
    return %arg0, %c0_i32 : i32, i32
  }
  func.func @transform_1(%arg0: i32) -> (i32, i32) {
    %c0_i32 = arith.constant 0 : i32
    %c0_i32_0 = arith.constant 0 : i32
    %c0_i32_1 = arith.constant 0 : i32
    return %c0_i32, %c0_i32_0 : i32, i32
  }
  func.func @transform_2(%arg0: i32) -> (i32, i32) {
    %c0_i32 = arith.constant 0 : i32
    %c0_i32_0 = arith.constant 0 : i32
    %c0_i32_1 = arith.constant 0 : i32
    return %c0_i32, %c0_i32_0 : i32, i32
  }
  func.func @transform_3(%arg0: i32) -> i32 {
    %c0_i32 = arith.constant 0 : i32
    %c0_i32_0 = arith.constant 0 : i32
    return %c0_i32 : i32
  }
  func.func @transform_4(%arg0: i32) -> i32 {
    %c0_i32 = arith.constant 0 : i32
    %c0_i32_0 = arith.constant 0 : i32
    return %c0_i32 : i32
  }
  func.func @transform_5(%arg0: i32) -> (i32, i32) {
    %c0_i32 = arith.constant 0 : i32
    %c0_i32_0 = arith.constant 0 : i32
    return %arg0, %c0_i32 : i32, i32
  }
}

module attributes {stable_mosaic.version = 14 : i64} {
  func.func @_text_body(%arg0: i32, %arg1: memref<1024x768xf32, #tpu.memory_space<vmem>>, %arg2: memref<1x1x1024xi32, #tpu.memory_space<vmem>>, %arg3: memref<1x1x1024xi32, #tpu.memory_space<vmem>>, %arg4: memref<128x768xf32, #tpu.memory_space<vmem>>, %arg5: memref<8x768xf32, #tpu.memory_space<vmem>>, %arg6: memref<768xf32, #tpu.memory_space<vmem>>, %arg7: memref<768xf32, #tpu.memory_space<vmem>>, %arg8: memref<1024x768xf32, #tpu.memory_space<vmem>>) attributes {dimension_semantics = [#tpu.dimension_semantics<arbitrary>], iteration_bounds = array<i64: 64>, scalar_prefetch = 0 : i64, scratch_operands = 0 : i64, tpu.core_type = #tpu.core_type<tc>, window_params = [{transform_indices = @transform_0, window_bounds = array<i64: 1024, 768>}, {transform_indices = @transform_1, window_bounds = array<i64: 1, 1, 1024>}, {transform_indices = @transform_2, window_bounds = array<i64: 1, 1, 1024>}, {pipeline_mode = #tpu.pipeline_mode<synchronous>, transform_indices = @transform_3, window_bounds = array<i64: 128, 768>}, {pipeline_mode = #tpu.pipeline_mode<synchronous>, transform_indices = @transform_4, window_bounds = array<i64: 8, 768>}, {pipeline_mode = #tpu.pipeline_mode<synchronous>, transform_indices = @transform_5, window_bounds = array<i64: 768>}, {pipeline_mode = #tpu.pipeline_mode<synchronous>, transform_indices = @transform_6, window_bounds = array<i64: 768>}, {transform_indices = @transform_7, window_bounds = array<i64: 1024, 768>}]} {
    %get3A = arith.constant 0 : index
    %get3A_0 = arith.constant 0 : index
    %get3A_1 = vector.load %arg1[%get3A, %get3A_0] : memref<1024x768xf32, #tpu.memory_space<vmem>>, vector<1024x768xf32>
    %get3A_2 = arith.constant 0 : index
    %get3A_3 = arith.constant 0 : index
    %get3A_4 = arith.constant 0 : index
    %get3A_5 = vector.load %arg2[%get3A_2, %get3A_3, %get3A_4] : memref<1x1x1024xi32, #tpu.memory_space<vmem>>, vector<1x1x1024xi32>
    %get3A_6 = vector.shape_cast %get3A_5 : vector<1x1x1024xi32> to vector<1024xi32>
    %get3A_7 = arith.constant 0 : index
    %get3A_8 = arith.constant 0 : index
    %get3A_9 = arith.constant 0 : index
    %get3A_10 = vector.load %arg3[%get3A_7, %get3A_8, %get3A_9] : memref<1x1x1024xi32, #tpu.memory_space<vmem>>, vector<1x1x1024xi32>
    %get3A_11 = vector.shape_cast %get3A_10 : vector<1x1x1024xi32> to vector<1024xi32>
    %broadcast_in_dim3A = vector.shape_cast %get3A_6 : vector<1024xi32> to vector<1024x1xi32>
    %iota3A = tpu.iota {dimensions = array<i32: 1>} : vector<1024x128xi32>
    %eq3A = vector.broadcast %broadcast_in_dim3A : vector<1024x1xi32> to vector<1024x128xi32>
    %eq3A_12 = arith.cmpi eq, %eq3A, %iota3A : vector<1024x128xi32>
    %convert_element_type3A = arith.extui %eq3A_12 : vector<1024x128xi1> to vector<1024x128xi32>
    %convert_element_type3A_13 = arith.sitofp %convert_element_type3A : vector<1024x128xi32> to vector<1024x128xf32>
    %get3A_14 = arith.constant 0 : index
    %get3A_15 = arith.constant 0 : index
    %get3A_16 = vector.load %arg4[%get3A_14, %get3A_15] : memref<128x768xf32, #tpu.memory_space<vmem>>, vector<128x768xf32>
    %dot_general3A = arith.constant dense<0.000000e+00> : vector<1024x768xf32>
    %dot_general3A_17 = tpu.matmul %convert_element_type3A_13, %get3A_16, %dot_general3A {dimension_numbers = #tpu.dot_dimension_numbers<[1], [0], [0], [1], [0, 0, 1, 1], [], []>, transpose_lhs_hint = false} : vector<1024x128xf32>, vector<128x768xf32>, vector<1024x768xf32> -> vector<1024x768xf32>
    %get3A_18 = arith.constant 0 : index
    %get3A_19 = arith.constant 0 : index
    %get3A_20 = vector.load %arg5[%get3A_18, %get3A_19] : memref<8x768xf32, #tpu.memory_space<vmem>>, vector<1x768xf32>
    %get3A_21 = vector.shape_cast %get3A_20 : vector<1x768xf32> to vector<768xf32>
    %get3A_22 = arith.constant 1 : index
    %get3A_23 = arith.constant 0 : index
    %get3A_24 = vector.load %arg5[%get3A_22, %get3A_23] : memref<8x768xf32, #tpu.memory_space<vmem>>, vector<1x768xf32>
    %get3A_25 = vector.shape_cast %get3A_24 : vector<1x768xf32> to vector<768xf32>
    %broadcast_in_dim3A_26 = vector.shape_cast %get3A_21 : vector<768xf32> to vector<1x768xf32>
    %convert_element_type3A_27 = arith.sitofp %get3A_11 : vector<1024xi32> to vector<1024xf32>
    %broadcast_in_dim3A_28 = vector.shape_cast %convert_element_type3A_27 : vector<1024xf32> to vector<1024x1xf32>
    %sub3A = arith.subf %get3A_25, %get3A_21 : vector<768xf32>
    %broadcast_in_dim3A_29 = vector.shape_cast %sub3A : vector<768xf32> to vector<1x768xf32>
    %mul3A = vector.broadcast %broadcast_in_dim3A_28 : vector<1024x1xf32> to vector<1024x768xf32>
    %mul3A_30 = vector.broadcast %broadcast_in_dim3A_29 : vector<1x768xf32> to vector<1024x768xf32>
    %mul3A_31 = arith.mulf %mul3A, %mul3A_30 : vector<1024x768xf32>
    %add3A = vector.broadcast %broadcast_in_dim3A_26 : vector<1x768xf32> to vector<1024x768xf32>
    %add3A_32 = arith.addf %add3A, %mul3A_31 : vector<1024x768xf32>
    %add3A_33 = arith.addf %get3A_1, %dot_general3A_17 : vector<1024x768xf32>
    %add3A_34 = arith.addf %add3A_33, %add3A_32 : vector<1024x768xf32>
    %get3A_35 = arith.constant 0 : index
    %get3A_36 = vector.load %arg6[%get3A_35] : memref<768xf32, #tpu.memory_space<vmem>>, vector<768xf32>
    %get3A_37 = arith.constant 0 : index
    %get3A_38 = vector.load %arg7[%get3A_37] : memref<768xf32, #tpu.memory_space<vmem>>, vector<768xf32>
    %reduce_sum3A = arith.constant dense<0.000000e+00> : vector<1024xf32>
    %reduce_sum3A_39 = vector.multi_reduction <add>, %add3A_34, %reduce_sum3A [1] : vector<1024x768xf32> to vector<1024xf32>
    %broadcast_in_dim3A_40 = vector.shape_cast %reduce_sum3A_39 : vector<1024xf32> to vector<1024x1xf32>
    %div3A = arith.constant 7.680000e+02 : f32
    %div3A_41 = vector.broadcast %div3A : f32 to vector<1024x1xf32>
    %div3A_42 = arith.divf %broadcast_in_dim3A_40, %div3A_41 : vector<1024x1xf32>
    %sub3A_43 = vector.broadcast %div3A_42 : vector<1024x1xf32> to vector<1024x768xf32>
    %sub3A_44 = arith.subf %add3A_34, %sub3A_43 : vector<1024x768xf32>
    %integer_pow3A = arith.mulf %sub3A_44, %sub3A_44 : vector<1024x768xf32>
    %reduce_sum3A_45 = arith.constant dense<0.000000e+00> : vector<1024xf32>
    %reduce_sum3A_46 = vector.multi_reduction <add>, %integer_pow3A, %reduce_sum3A_45 [1] : vector<1024x768xf32> to vector<1024xf32>
    %broadcast_in_dim3A_47 = vector.shape_cast %reduce_sum3A_46 : vector<1024xf32> to vector<1024x1xf32>
    %div3A_48 = arith.constant 7.680000e+02 : f32
    %div3A_49 = vector.broadcast %div3A_48 : f32 to vector<1024x1xf32>
    %div3A_50 = arith.divf %broadcast_in_dim3A_47, %div3A_49 : vector<1024x1xf32>
    %sub3A_51 = vector.broadcast %div3A_42 : vector<1024x1xf32> to vector<1024x768xf32>
    %sub3A_52 = arith.subf %add3A_34, %sub3A_51 : vector<1024x768xf32>
    %add3A_53 = arith.constant 9.99999996E-13 : f32
    %add3A_54 = vector.broadcast %add3A_53 : f32 to vector<1024x1xf32>
    %add3A_55 = arith.addf %div3A_50, %add3A_54 : vector<1024x1xf32>
    %sqrt3A = math.sqrt %add3A_55 : vector<1024x1xf32>
    %div3A_56 = vector.broadcast %sqrt3A : vector<1024x1xf32> to vector<1024x768xf32>
    %div3A_57 = arith.divf %sub3A_52, %div3A_56 : vector<1024x768xf32>
    %broadcast_in_dim3A_58 = vector.shape_cast %get3A_36 : vector<768xf32> to vector<1x768xf32>
    %mul3A_59 = vector.broadcast %broadcast_in_dim3A_58 : vector<1x768xf32> to vector<1024x768xf32>
    %mul3A_60 = arith.mulf %div3A_57, %mul3A_59 : vector<1024x768xf32>
    %broadcast_in_dim3A_61 = vector.shape_cast %get3A_38 : vector<768xf32> to vector<1x768xf32>
    %add3A_62 = vector.broadcast %broadcast_in_dim3A_61 : vector<1x768xf32> to vector<1024x768xf32>
    %add3A_63 = arith.addf %mul3A_60, %add3A_62 : vector<1024x768xf32>
    %swap3A = arith.constant 0 : index
    %swap3A_64 = arith.constant 0 : index
    %swap3A_65 = vector.load %arg8[%swap3A, %swap3A_64] : memref<1024x768xf32, #tpu.memory_space<vmem>>, vector<1024x768xf32>
    tpu.vector_store %arg8[%swap3A, %swap3A_64], %add3A_63 {strides = array<i32>} : memref<1024x768xf32, #tpu.memory_space<vmem>>, vector<1024x768xf32>,
    return
  }
  func.func @transform_0(%arg0: i32) -> (i32, i32) {
    %c0_i32 = arith.constant 0 : i32
    %c0_i32_0 = arith.constant 0 : i32
    return %arg0, %c0_i32 : i32, i32
  }
  func.func @transform_1(%arg0: i32) -> (i32, i32, i32) {
    %c0_i32 = arith.constant 0 : i32
    %c0_i32_0 = arith.constant 0 : i32
    %c0_i32_1 = arith.constant 0 : i32
    return %arg0, %c0_i32, %c0_i32_0 : i32, i32, i32
  }
  func.func @transform_2(%arg0: i32) -> (i32, i32, i32) {
    %c0_i32 = arith.constant 0 : i32
    %c0_i32_0 = arith.constant 0 : i32
    %c0_i32_1 = arith.constant 0 : i32
    return %arg0, %c0_i32, %c0_i32_0 : i32, i32, i32
  }
  func.func @transform_3(%arg0: i32) -> (i32, i32) {
    %c0_i32 = arith.constant 0 : i32
    %c0_i32_0 = arith.constant 0 : i32
    %c0_i32_1 = arith.constant 0 : i32
    return %c0_i32, %c0_i32_0 : i32, i32
  }
  func.func @transform_4(%arg0: i32) -> (i32, i32) {
    %c0_i32 = arith.constant 0 : i32
    %c0_i32_0 = arith.constant 0 : i32
    %c0_i32_1 = arith.constant 0 : i32
    return %c0_i32, %c0_i32_0 : i32, i32
  }
  func.func @transform_5(%arg0: i32) -> i32 {
    %c0_i32 = arith.constant 0 : i32
    %c0_i32_0 = arith.constant 0 : i32
    return %c0_i32 : i32
  }
  func.func @transform_6(%arg0: i32) -> i32 {
    %c0_i32 = arith.constant 0 : i32
    %c0_i32_0 = arith.constant 0 : i32
    return %c0_i32 : i32
  }
  func.func @transform_7(%arg0: i32) -> (i32, i32) {
    %c0_i32 = arith.constant 0 : i32
    %c0_i32_0 = arith.constant 0 : i32
    return %arg0, %c0_i32 : i32, i32
  }
}

module attributes {stable_mosaic.version = 14 : i64} {
  func.func @_text_body_b(%arg0: i32, %arg1: memref<8x768xf32, #tpu.memory_space<vmem>>, %arg2: memref<1024x768xf32, #tpu.memory_space<vmem>>, %arg3: memref<1x1x1024xi32, #tpu.memory_space<vmem>>, %arg4: memref<1x1x1024xi32, #tpu.memory_space<vmem>>, %arg5: memref<128x768xf32, #tpu.memory_space<vmem>>, %arg6: memref<8x768xf32, #tpu.memory_space<vmem>>, %arg7: memref<768xf32, #tpu.memory_space<vmem>>, %arg8: memref<768xf32, #tpu.memory_space<vmem>>, %arg9: memref<1024x768xf32, #tpu.memory_space<vmem>>) attributes {dimension_semantics = [#tpu.dimension_semantics<arbitrary>], iteration_bounds = array<i64: 64>, scalar_prefetch = 0 : i64, scratch_operands = 0 : i64, tpu.core_type = #tpu.core_type<tc>, window_params = [{transform_indices = @transform_0, window_bounds = array<i64: 8, 768>}, {transform_indices = @transform_1, window_bounds = array<i64: 1024, 768>}, {transform_indices = @transform_2, window_bounds = array<i64: 1, 1, 1024>}, {transform_indices = @transform_3, window_bounds = array<i64: 1, 1, 1024>}, {pipeline_mode = #tpu.pipeline_mode<synchronous>, transform_indices = @transform_4, window_bounds = array<i64: 128, 768>}, {pipeline_mode = #tpu.pipeline_mode<synchronous>, transform_indices = @transform_5, window_bounds = array<i64: 8, 768>}, {pipeline_mode = #tpu.pipeline_mode<synchronous>, transform_indices = @transform_6, window_bounds = array<i64: 768>}, {pipeline_mode = #tpu.pipeline_mode<synchronous>, transform_indices = @transform_7, window_bounds = array<i64: 768>}, {transform_indices = @transform_8, window_bounds = array<i64: 1024, 768>}]} {
    %get3A = arith.constant 0 : index
    %get3A_0 = arith.constant 0 : index
    %get3A_1 = vector.load %arg2[%get3A, %get3A_0] : memref<1024x768xf32, #tpu.memory_space<vmem>>, vector<1024x768xf32>
    %get3A_2 = arith.constant 0 : index
    %get3A_3 = arith.constant 0 : index
    %get3A_4 = arith.constant 0 : index
    %get3A_5 = vector.load %arg3[%get3A_2, %get3A_3, %get3A_4] : memref<1x1x1024xi32, #tpu.memory_space<vmem>>, vector<1x1x1024xi32>
    %get3A_6 = vector.shape_cast %get3A_5 : vector<1x1x1024xi32> to vector<1024xi32>
    %get3A_7 = arith.constant 0 : index
    %get3A_8 = arith.constant 0 : index
    %get3A_9 = arith.constant 0 : index
    %get3A_10 = vector.load %arg4[%get3A_7, %get3A_8, %get3A_9] : memref<1x1x1024xi32, #tpu.memory_space<vmem>>, vector<1x1x1024xi32>
    %get3A_11 = vector.shape_cast %get3A_10 : vector<1x1x1024xi32> to vector<1024xi32>
    %broadcast_in_dim3A = vector.shape_cast %get3A_6 : vector<1024xi32> to vector<1024x1xi32>
    %iota3A = tpu.iota {dimensions = array<i32: 1>} : vector<1024x128xi32>
    %eq3A = vector.broadcast %broadcast_in_dim3A : vector<1024x1xi32> to vector<1024x128xi32>
    %eq3A_12 = arith.cmpi eq, %eq3A, %iota3A : vector<1024x128xi32>
    %convert_element_type3A = arith.extui %eq3A_12 : vector<1024x128xi1> to vector<1024x128xi32>
    %convert_element_type3A_13 = arith.sitofp %convert_element_type3A : vector<1024x128xi32> to vector<1024x128xf32>
    %get3A_14 = arith.constant 0 : index
    %get3A_15 = arith.constant 0 : index
    %get3A_16 = vector.load %arg5[%get3A_14, %get3A_15] : memref<128x768xf32, #tpu.memory_space<vmem>>, vector<128x768xf32>
    %dot_general3A = arith.constant dense<0.000000e+00> : vector<1024x768xf32>
    %dot_general3A_17 = tpu.matmul %convert_element_type3A_13, %get3A_16, %dot_general3A {dimension_numbers = #tpu.dot_dimension_numbers<[1], [0], [0], [1], [0, 0, 1, 1], [], []>, transpose_lhs_hint = false} : vector<1024x128xf32>, vector<128x768xf32>, vector<1024x768xf32> -> vector<1024x768xf32>
    %get3A_18 = arith.constant 0 : index
    %get3A_19 = arith.constant 0 : index
    %get3A_20 = vector.load %arg6[%get3A_18, %get3A_19] : memref<8x768xf32, #tpu.memory_space<vmem>>, vector<1x768xf32>
    %get3A_21 = vector.shape_cast %get3A_20 : vector<1x768xf32> to vector<768xf32>
    %get3A_22 = arith.constant 1 : index
    %get3A_23 = arith.constant 0 : index
    %get3A_24 = vector.load %arg6[%get3A_22, %get3A_23] : memref<8x768xf32, #tpu.memory_space<vmem>>, vector<1x768xf32>
    %get3A_25 = vector.shape_cast %get3A_24 : vector<1x768xf32> to vector<768xf32>
    %broadcast_in_dim3A_26 = vector.shape_cast %get3A_21 : vector<768xf32> to vector<1x768xf32>
    %convert_element_type3A_27 = arith.sitofp %get3A_11 : vector<1024xi32> to vector<1024xf32>
    %broadcast_in_dim3A_28 = vector.shape_cast %convert_element_type3A_27 : vector<1024xf32> to vector<1024x1xf32>
    %sub3A = arith.subf %get3A_25, %get3A_21 : vector<768xf32>
    %broadcast_in_dim3A_29 = vector.shape_cast %sub3A : vector<768xf32> to vector<1x768xf32>
    %mul3A = vector.broadcast %broadcast_in_dim3A_28 : vector<1024x1xf32> to vector<1024x768xf32>
    %mul3A_30 = vector.broadcast %broadcast_in_dim3A_29 : vector<1x768xf32> to vector<1024x768xf32>
    %mul3A_31 = arith.mulf %mul3A, %mul3A_30 : vector<1024x768xf32>
    %add3A = vector.broadcast %broadcast_in_dim3A_26 : vector<1x768xf32> to vector<1024x768xf32>
    %add3A_32 = arith.addf %add3A, %mul3A_31 : vector<1024x768xf32>
    %add3A_33 = arith.addf %get3A_1, %dot_general3A_17 : vector<1024x768xf32>
    %add3A_34 = arith.addf %add3A_33, %add3A_32 : vector<1024x768xf32>
    %get3A_35 = arith.constant 0 : index
    %get3A_36 = vector.load %arg7[%get3A_35] : memref<768xf32, #tpu.memory_space<vmem>>, vector<768xf32>
    %get3A_37 = arith.constant 0 : index
    %get3A_38 = vector.load %arg8[%get3A_37] : memref<768xf32, #tpu.memory_space<vmem>>, vector<768xf32>
    %reduce_sum3A = arith.constant dense<0.000000e+00> : vector<1024xf32>
    %reduce_sum3A_39 = vector.multi_reduction <add>, %add3A_34, %reduce_sum3A [1] : vector<1024x768xf32> to vector<1024xf32>
    %broadcast_in_dim3A_40 = vector.shape_cast %reduce_sum3A_39 : vector<1024xf32> to vector<1024x1xf32>
    %div3A = arith.constant 7.680000e+02 : f32
    %div3A_41 = vector.broadcast %div3A : f32 to vector<1024x1xf32>
    %div3A_42 = arith.divf %broadcast_in_dim3A_40, %div3A_41 : vector<1024x1xf32>
    %sub3A_43 = vector.broadcast %div3A_42 : vector<1024x1xf32> to vector<1024x768xf32>
    %sub3A_44 = arith.subf %add3A_34, %sub3A_43 : vector<1024x768xf32>
    %integer_pow3A = arith.mulf %sub3A_44, %sub3A_44 : vector<1024x768xf32>
    %reduce_sum3A_45 = arith.constant dense<0.000000e+00> : vector<1024xf32>
    %reduce_sum3A_46 = vector.multi_reduction <add>, %integer_pow3A, %reduce_sum3A_45 [1] : vector<1024x768xf32> to vector<1024xf32>
    %broadcast_in_dim3A_47 = vector.shape_cast %reduce_sum3A_46 : vector<1024xf32> to vector<1024x1xf32>
    %div3A_48 = arith.constant 7.680000e+02 : f32
    %div3A_49 = vector.broadcast %div3A_48 : f32 to vector<1024x1xf32>
    %div3A_50 = arith.divf %broadcast_in_dim3A_47, %div3A_49 : vector<1024x1xf32>
    %sub3A_51 = vector.broadcast %div3A_42 : vector<1024x1xf32> to vector<1024x768xf32>
    %sub3A_52 = arith.subf %add3A_34, %sub3A_51 : vector<1024x768xf32>
    %add3A_53 = arith.constant 9.99999996E-13 : f32
    %add3A_54 = vector.broadcast %add3A_53 : f32 to vector<1024x1xf32>
    %add3A_55 = arith.addf %div3A_50, %add3A_54 : vector<1024x1xf32>
    %sqrt3A = math.sqrt %add3A_55 : vector<1024x1xf32>
    %div3A_56 = vector.broadcast %sqrt3A : vector<1024x1xf32> to vector<1024x768xf32>
    %div3A_57 = arith.divf %sub3A_52, %div3A_56 : vector<1024x768xf32>
    %broadcast_in_dim3A_58 = vector.shape_cast %get3A_36 : vector<768xf32> to vector<1x768xf32>
    %mul3A_59 = vector.broadcast %broadcast_in_dim3A_58 : vector<1x768xf32> to vector<1024x768xf32>
    %mul3A_60 = arith.mulf %div3A_57, %mul3A_59 : vector<1024x768xf32>
    %broadcast_in_dim3A_61 = vector.shape_cast %get3A_38 : vector<768xf32> to vector<1x768xf32>
    %add3A_62 = vector.broadcast %broadcast_in_dim3A_61 : vector<1x768xf32> to vector<1024x768xf32>
    %add3A_63 = arith.addf %mul3A_60, %add3A_62 : vector<1024x768xf32>
    %swap3A = arith.constant 0 : index
    %swap3A_64 = arith.constant 0 : index
    %swap3A_65 = vector.load %arg9[%swap3A, %swap3A_64] : memref<1024x768xf32, #tpu.memory_space<vmem>>, vector<1024x768xf32>
    tpu.vector_store %arg9[%swap3A, %swap3A_64], %add3A_63 {strides = array<i32>} : memref<1024x768xf32, #tpu.memory_space<vmem>>, vector<1024x768xf32>,
    return
  }
  func.func @transform_0(%arg0: i32) -> (i32, i32) {
    %c0_i32 = arith.constant 0 : i32
    %c0_i32_0 = arith.constant 0 : i32
    %c0_i32_1 = arith.constant 0 : i32
    return %c0_i32, %c0_i32_0 : i32, i32
  }
  func.func @transform_1(%arg0: i32) -> (i32, i32) {
    %c0_i32 = arith.constant 0 : i32
    %c0_i32_0 = arith.constant 0 : i32
    return %arg0, %c0_i32 : i32, i32
  }
  func.func @transform_2(%arg0: i32) -> (i32, i32, i32) {
    %c0_i32 = arith.constant 0 : i32
    %c0_i32_0 = arith.constant 0 : i32
    %c0_i32_1 = arith.constant 0 : i32
    return %arg0, %c0_i32, %c0_i32_0 : i32, i32, i32
  }
  func.func @transform_3(%arg0: i32) -> (i32, i32, i32) {
    %c0_i32 = arith.constant 0 : i32
    %c0_i32_0 = arith.constant 0 : i32
    %c0_i32_1 = arith.constant 0 : i32
    return %arg0, %c0_i32, %c0_i32_0 : i32, i32, i32
  }
  func.func @transform_4(%arg0: i32) -> (i32, i32) {
    %c0_i32 = arith.constant 0 : i32
    %c0_i32_0 = arith.constant 0 : i32
    %c0_i32_1 = arith.constant 0 : i32
    return %c0_i32, %c0_i32_0 : i32, i32
  }
  func.func @transform_5(%arg0: i32) -> (i32, i32) {
    %c0_i32 = arith.constant 0 : i32
    %c0_i32_0 = arith.constant 0 : i32
    %c0_i32_1 = arith.constant 0 : i32
    return %c0_i32, %c0_i32_0 : i32, i32
  }
  func.func @transform_6(%arg0: i32) -> i32 {
    %c0_i32 = arith.constant 0 : i32
    %c0_i32_0 = arith.constant 0 : i32
    return %c0_i32 : i32
  }
  func.func @transform_7(%arg0: i32) -> i32 {
    %c0_i32 = arith.constant 0 : i32
    %c0_i32_0 = arith.constant 0 : i32
    return %c0_i32 : i32
  }
  func.func @transform_8(%arg0: i32) -> (i32, i32) {
    %add3A = arith.constant 64 : i32
    %add3A_0 = arith.addi %arg0, %add3A : i32
    %c0_i32 = arith.constant 0 : i32
    %c0_i32_1 = arith.constant 0 : i32
    return %add3A_0, %c0_i32 : i32, i32
  }
}

</mosaic_0001>

<sc_bundles>
// kernel: kernel.10.cloned.1.call-start
scs
__scs_entry_jumppad:
0x0: {  	(pc) =	sbr.rel $0x88, $3  }
0x1: {  	(tag) =	ssettag $0x0;
	lr =	simm.s32 $0x1  }
0x2: {  	[smem:$0x3F95] =	sst lr;
	_ =	strace $0xD0000000  }
0x3: {  	_ = 	snop  }
0x4: {  	_ = 	snop  }
0x5: {  	_ = 	snop  }
0x6: {  	_ = 	snop  }
0x7: {  	_ = 	snop  }
__scs_overlays_trampoline_lowered:
0x8: {  	[smem:$0x3FA4] =	sst s0  }
0x9: {  	[smem:$0x3FA5] =	sst s1  }
0xa: {  	[smem:$0x3FA6] =	sst s2  }
0xb: {  	[smem:$0x3FA7] =	sst s3  }
0xc: {  	[smem:$0x3FA8] =	sst s4  }
0xd: {  	[smem:$0x3FA9] =	sst s5  }
0xe: {  	[smem:$0x3FAA] =	sst s6  }
0xf: {  	[smem:$0x3FAB] =	sst s7  }
0x10: {  	[smem:$0x3FAC] =	sst s8  }
0x11: {  	[smem:$0x3FAD] =	sst s9;
	s0 =	simm.s32 @!p0 $0x0  }
0x12: {  	s1 =	sld [smem:$0x3F93];
	s0 =	simm.s32 @p0 $0x1  }
0x13: {  	[smem:$0x3FAE] =	sst s0;
	s0 =	simm.s32 @!p1 $0x0  }
0x14: {  	s2 =	sld [smem:$0x3F92];
	s0 =	simm.s32 @p1 $0x1  }
0x15: {  	[smem:$0x3FAF] =	sst s0;
	s0 =	simm.s32 @!p2 $0x0  }
0x16: {  	s3 =	sld [smem:$0x3FDB];
	s0 =	simm.s32 @p2 $0x1  }
0x17: {  	s4 =	simm.s32 $0x1BF5;
	[smem:$0x3FB1] =	sst s0  }
0x18: {  	s0 =	sld [smem:$0x3F94];
	_ =	swait.ge [sflag:s4], $0x0  }
0x19: {  	s7 =	sld [smem:$0x3F95]  }
0x1a: {  	s8 =	sadd.s32 $0xFFFFE003, lr  }
0x1b: {  	s9 =	sadd.s32 $0xFFFFFEF7, lr;
	s5 =	simm.s32 $0xFFFFFFFF;
	p2 =	slt.u32 s8, $0xFFFFF086  }
0x1c: {  	p1 =	slt.u32 s9, $0xF7A;
	s5 =	simm.s32 @!p2 $0x0  }
0x1d: {  	s5 =	simm.s32 @p1 $0x1;
	p0 =	seq.s32 s7, s2  }
0x1e: {  	s7 =	smul.u32 @!p0 $0xF7A, s2;
	p2 =	seq.s32 @!p0 s5, $0x0  }
0x1f: {  	s9 =	smul.u32 $0xF7A, s1;
	s8 =	simm.s32 @!p0 $0x1BF5;
	p2 =	por !p2, p0  }
0x20: {  	[sflag:s8] =	ssyncset.s32 @!p0 $0xFFFFF086;
	s6 =	sadd.s32 @!p0 s3, s7;
	s7 =	simm.s32 @!p0 $0x108  }
0x21: {  	s3 =	sadd.s32 s3, s9;
	s6 =	sadd.s32 @!p0 $0x88, s6;
	s7 =	simm.s32 @p2 $0x1082  }
0x22: {  	[simem:s7], [sflag:s8] =	dma.local @!p0 [hbm:s6], $0xF7A  }
0x23: {  	s9 =	sor.u32 $0xD0000000, s2;
	s6 =	simm.s32 $0x108;
	_ =	swait.ge @!p0 [sflag:s8], $0x0  }
0x24: {  	s3 =	sadd.s32 $0x88, s3;
	s6 =	simm.s32 @!p1 $0x1082;
	[sflag:s4] =	ssyncset.s32 $0xFFFFF086  }
0x25: {  	[simem:s6], [sflag:s4] =	dma.local [hbm:s3], $0xF7A  }
0x26: {  	[smem:$0x3F95] =	sst s1;
	(tag) =	ssettag s2;
	_ =	strace s9  }
0x27: {  	s1 =	sld [smem:$0x3FA5]  }
0x28: {  	s2 =	sld [smem:$0x3FA6]  }
0x29: {  	s4 =	sld [smem:$0x3FA8]  }
0x2a: {  	p0 =	seq.s32 s5, $0x0;
	s5 =	sld [smem:$0x3FA9]  }
0x2b: {  	s6 =	sld [smem:$0x3FAA]  }
0x2c: {  	s7 =	sld [smem:$0x3FAB]  }
0x2d: {  	s3 =	simm.s32 $0x108;
	s8 =	sld [smem:$0x3FAC]  }
0x2e: {  	s3 =	simm.s32 @!p0 $0x1082;
	s9 =	sld [smem:$0x3FAD]  }
0x2f: {  	lr =	sadd.s32 s0, s3;
	s0 =	sld [smem:$0x3FA4]  }
0x30: {  	s3 =	sld [smem:$0x3FA7]  }
0x31: {  	[smem:$0x3FB0] =	sst s10  }
0x32: {  	s10 =	sld [smem:$0x3FAE];
	_ =	sdelay $0x3  }
0x33: {  	p0 =	seq.s32 s10, $0x1;
	s10 =	sld [smem:$0x3FB0];
	_ =	sdelay $0x3  }
0x34: {  	[smem:$0x3FB0] =	sst s10  }
0x35: {  	s10 =	sld [smem:$0x3FAF];
	_ =	sdelay $0x3  }
0x36: {  	p1 =	seq.s32 s10, $0x1;
	s10 =	sld [smem:$0x3FB0];
	_ =	sdelay $0x3  }
0x37: {  	[smem:$0x3FB0] =	sst s10  }
0x38: {  	s10 =	sld [smem:$0x3FB1]  }
0x39: {  	_ = 	snop;
	(pc) =	sbr.ind lr, $3  }
0x3a: {  	_ = 	snop  }
0x3b: {  	_ = 	snop  }
0x3c: {  	p2 =	seq.s32 s10, $0x1;
	s10 =	sld [smem:$0x3FB0]  }
0x3d: {  	_ =	shalt  }
0x3e: {  	_ =	shalt  }
0x3f: {  	_ =	shalt  }
0x40: {  	_ =	shalt  }
0x41: {  	_ =	shalt  }
0x42: {  	_ =	shalt  }
0x43: {  	_ =	shalt  }
0x44: {  	_ =	shalt  }
0x45: {  	_ =	shalt  }
0x46: {  	_ =	shalt  }
0x47: {  	_ =	shalt  }
0x48: {  	_ =	shalt  }
0x49: {  	_ =	shalt  }
0x4a: {  	_ =	shalt  }
0x4b: {  	_ =	shalt  }
0x4c: {  	_ =	shalt  }
0x4d: {  	_ =	shalt  }
0x4e: {  	_ =	shalt  }
0x4f: {  	_ =	shalt  }
0x50: {  	_ =	shalt  }
0x51: {  	_ =	shalt  }
0x52: {  	_ =	shalt  }
0x53: {  	_ =	shalt  }
0x54: {  	_ =	shalt  }
0x55: {  	_ =	shalt  }
0x56: {  	_ =	shalt  }
0x57: {  	_ =	shalt  }
0x58: {  	_ =	shalt  }
0x59: {  	_ =	shalt  }
0x5a: {  	_ =	shalt  }
0x5b: {  	_ =	shalt  }
0x5c: {  	_ =	shalt  }
0x5d: {  	_ =	shalt  }
0x5e: {  	_ =	shalt  }
0x5f: {  	_ =	shalt  }
0x60: {  	_ =	shalt  }
0x61: {  	_ =	shalt  }
0x62: {  	_ =	shalt  }
0x63: {  	_ =	shalt  }
0x64: {  	_ =	shalt  }
0x65: {  	_ =	shalt  }
0x66: {  	_ =	shalt  }
0x67: {  	_ =	shalt  }
0x68: {  	_ =	shalt  }
0x69: {  	_ =	shalt  }
0x6a: {  	_ =	shalt  }
0x6b: {  	_ =	shalt  }
0x6c: {  	_ =	shalt  }
0x6d: {  	_ =	shalt  }
0x6e: {  	_ =	shalt  }
0x6f: {  	_ =	shalt  }
0x70: {  	_ =	shalt  }
0x71: {  	_ =	shalt  }
0x72: {  	_ =	shalt  }
0x73: {  	_ =	shalt  }
0x74: {  	_ =	shalt  }
0x75: {  	_ =	shalt  }
0x76: {  	_ =	shalt  }
0x77: {  	_ =	shalt  }
0x78: {  	_ =	shalt  }
0x79: {  	_ =	shalt  }
0x7a: {  	_ =	shalt  }
0x7b: {  	_ =	shalt  }
0x7c: {  	_ =	shalt  }
0x7d: {  	_ =	shalt  }
0x7e: {  	_ =	shalt  }
0x7f: {  	_ =	shalt  }
0x80: {  	_ =	shalt  }
0x81: {  	_ =	shalt  }
0x82: {  	_ =	shalt  }
0x83: {  	_ =	shalt  }
0x84: {  	_ =	shalt  }
0x85: {  	_ =	shalt  }
0x86: {  	_ =	shalt  }
0x87: {  	_ =	shalt  }
.Lfunc_end0:
.L_simem_size_0:
called_computation.1_lowered:
.L_overlay_start_0:
0x88: {  	s2 =	sld [smem:$0x3FD9]  }
0x89: {  	s3 =	sld [smem:$0x3FFE];
	_ =	sdelay $0x1  }
0x8a: {  	s1 =	srdreg.scid  }
0x8b: {  	s0 =	sand.u32 $0x1, s1  }
0x8c: {  	s17 =	sshll.u32 s0, $0xA;
	s2 =	sadd.s32 s3, s2  }
0x8d: {  	s2 =	sadd.s32 s2, s17  }
0x8e: {  	[smem:$0x3FBC] =	sst s2  }
0x8f: {  	_ = 	snop  }
0x90: {  	s18 =	sld [smem:$0x3FC5];
	(tm) =	ssettm $0x1  }
0x91: {  	s19 =	sld [smem:$0x3FFB];
	_ =	sdelay $0x3  }
0x92: {  	_ =	strace s19  }
0x93: {  	s2 =	sld [smem:$0x3FFC];
	_ =	sdelay $0x3  }
0x94: {  	_ =	strace s2  }
0x95: {  	s2 =	sld [smem:$0x3FFD];
	_ =	sdelay $0x3  }
0x96: {  	_ =	strace s2  }
0x97: {  	_ =	strace $0x8FFFFFFF  }
0x98: {  	s20 =	sld [smem:$0x3FDB];
	_ =	sdelay $0x1  }
0x99: {  	s4 =	simm.s32 $_scs_section_size  }
0x9a: {  	s5 =	simm.s32 $_size__tile_overlayer_lowered;
	s6 =	simm.s32 $_tile_overlayer_lowered  }
0x9b: {  	s7 =	simm.s32 $0x1BFF;
	s21 =	sshll.u32 s6, $0x1;
	s4 =	sadd.s32 s4, s20  }
0x9c: {  	s22 =	simm.s32 $0x0;
	s5 =	sshll.u32 s5, $0x1;
	s6 =	sadd.s32 s21, s4  }
0x9d: {  	[timem:s22], [sflag:s7] =	dma.local [hbm:s6], s5  }
0x9e: {  	_ =	swait.ge [sflag:s7], s5  }
0x9f: {  	s5 =	ssub.s32 $0x0, s5;
	[sflag:s7] =	ssyncset.done $0x0  }
0xa0: {  	[sflag:s7] =	ssyncadd.s32 s5;
	_ =	sdelay $0x1  }
0xa1: {  	s23 =	simm.s32 $0x1B8B  }
0xa2: {  	_ =	swait.ge [sflag:s23], $0x1  }
0xa3: {  	[sflag:s23] =	ssyncset.done $0x0  }
0xa4: {  	[sflag:s23] =	ssyncadd.s32 $0xFFFFFFFF  }
0xa5: {  	s5 =	sld [smem:$0x0]  }
0xa6: {  	s6 =	sand.u32 $0xFFFFFFFE, s1  }
0xa7: {  	p0 =	sne.s32 s1, s6  }
0xa8: {  	s6 =	sshll.u32 @p0 s6, $0xE  }
0xa9: {  	s6 =	sadd.s32 @p0 $0x11B8D, s6;
	s7 =	sshll.u32 @p0 s5, $0x11  }
0xaa: {  	s6 =	sor.u32 @p0 s7, s6  }
0xab: {  	[sflag:s6] =	ssyncadd.remote.s32 @p0 $0x1;
	_ =	sdelay $0x1  }
0xac: {  	s6 =	simm.s32 @p0 $0x1B8D  }
0xad: {  	_ =	swait.eq @p0 [sflag:s6], $0x1  }
0xae: {  	[sflag:s6] =	ssyncadd.s32 @p0 $0xFFFFFFFF  }
0xaf: {  	s7 =	sshll.u32 @!p0 s1, $0xE  }
0xb0: {  	s7 =	sor.u32 @!p0 $0x4000, s7;
	s6 =	simm.s32 @!p0 $0x1B8D  }
0xb1: {  	s5 =	sshll.u32 @!p0 s5, $0x11;
	s7 =	sadd.s32 @!p0 $0x11B8D, s7;
	_ =	swait.eq @!p0 [sflag:s6], $0x1  }
0xb2: {  	s5 =	sor.u32 @!p0 s5, s7;
	[sflag:s6] =	ssyncadd.s32 @!p0 $0xFFFFFFFF  }
0xb3: {  	s25 =	simm.s32 $0x1B8E;
	s24 =	sld [smem:$0x3FFE];
	[sflag:s5] =	ssyncadd.remote.s32 @!p0 $0x1  }
0xb4: {  	s26 =	simm.s32 $execute0_lowered;
	[smem:$0x3FD2] =	sst s25  }
0xb5: {  	s6 =	sshll.u32 s26, $0x1;
	_ =	strace $0x80000049;
	[dreg:$0x1] =	wrdreg $0xFFFFFFFF  }
0xb6: {  	s28 =	simm.s32 $_size_execute0_lowered;
	s4 =	sadd.s32 s4, s6;
	[dreg:$0x0] =	wrdreg $0x0  }
0xb7: {  	s6 =	sshll.u32 s28, $0x1;
	[dreg:$0x2] =	wrdreg s4  }
0xb8: {  	[dreg:$0x3] =	wrdreg s6  }
0xb9: {  	[dreg:$0x4] =	wrdreg $0xC0  }
0xba: {  	_ =	task [dreg:s22], $0x5FFFF  }
0xbb: {  	[dreg:$0x1] =	wrdreg $0xFFFFFFFF  }
0xbc: {  	[dreg:$0x0] =	wrdreg $0x60  }
0xbd: {  	[dreg:$0x2] =	wrdreg s18  }
0xbe: {  	[dreg:$0x3] =	wrdreg s24  }
0xbf: {  	[dreg:$0x4] =	wrdreg $0xA  }
0xc0: {  	_ =	task.clear_ibuf [dreg:s22], $0x5FFFF;
	_ =	strace $0x90000049  }
0xc1: {  	s29 =	simm.s32 $0xA;
	_ =	strace $0x8000004B  }
0xc2: {  	_ =	swait.ge [sflag:s29], $0x1  }
0xc3: {  	[sflag:s29] =	ssyncadd.s32 $0xFFFFFFFF  }
0xc4: {  	_ =	strace $0x9000004B  }
0xc5: {  	_ =	sfence  }
0xc6: {  	s30 =	sld [smem:$0x0];
	_ =	sdelay $0x2  }
0xc7: {  	s31 =	sshll.u32 s1, $0xD;
	s1 =	sshrl.u32 s1, $0x2  }
0xc8: {  	s4 =	sand.u32 $0x4000, s31;
	s1 =	sadd.s32 s1, s30  }
0xc9: {  	s0 =	sor.u32 s4, s0;
	s1 =	sshll.u32 s1, $0x11  }
0xca: {  	s0 =	sor.u32 s1, s0  }
0xcb: {  	s0 =	sadd.s32 $0x8F2B, s0  }
0xcc: {  	[sflag:s0] =	ssyncadd.remote.s32 $0x1  }
0xcd: {  	_ =	sfence.sel $0xFFFF  }
0xce: {  	[dreg:$0x0] =	wrdreg $0xFFFFFFFF;
	(pc) =	sbr.abs _section_cstart, $3  }
0xcf: {  	[dreg:$0x1] =	wrdreg $0xFFFFFFFF  }
0xd0: {  	_ =	task.clear_ibuf [dreg:s22], $0x2FFFF;
	_ =	strace $0x9FFFFFFF  }
0xd1: {  	(tm) =	ssettm $0x7FFFFFFF  }
tec
execute0_lowered:
.L_overlay_start_1:
0x0: {  	(tag) =	ssettag $0x1  }
0x1: {  	s0 =	srdreg.scid;
	s2 =	rddreg [dreg:$0x0]  }
0x2: {  	s6 =	stileid.u32;
	s1 =	rddreg [dreg:$0x1];
	s3 =	simm.s32 $0x0  }
0x3: {  	s9 =	simm.s32 $0x3;
	s10 =	simm.s32 $0x1100;
	s7 =	simm.s32 $0xD100  }
0x4: {  	s16 =	simm.s32 $0xD900;
	s17 =	simm.s32 $0x10900;
	s18 =	simm.s32 $0x11100  }
0x5: {  	s19 =	simm.s32 $0x11900;
	s20 =	simm.s32 $0x12100;
	s21 =	simm.s32 $0x12900  }
0x6: {  	s22 =	simm.s32 $0x13100;
	s28 =	simm.s32 $0x15900;
	s29 =	simm.s32 $0x16100  }
0x7: {  	s30 =	simm.s32 $0x16900;
	s31 =	simm.s32 $0x17100;
	s11 =	simm.s32 $0x1  }
0x8: {  	s12 =	simm.s32 $0x2;
	s14 =	simm.s32 $0x0;
	s0 =	sand.u32 $0x1, s0  }
0x9: {  	s4 =	sshll.u32 s6, $0xC;
	[smem:$0x7FF] =	sst s3;
	s23 =	sshll.u32 s6, $0xA  }
0xa: {  	s6 =	sadd.s32 $0x200, s2;
	s5 =	sshll.u32 s0, $0xB;
	s24 =	sshll.u32 s0, $0x9  }
0xb: {  	s0 =	ssub.s32 $0x2, s0;
	_ =	strace $0x8000004A;
	s4 =	sor.u32 s5, s4  }
0xc: {  	s5 =	sor.u32 s24, s23;
	s25 =	sshrl.u32 s0, $0x1;
	s23 =	simm.s32 $0x13900  }
0xd: {  	s24 =	simm.s32 $0x14100;
	s4 =	sshrl.u32 s4, $0x3;
	s5 =	sadd.s32 s5, s1  }
.Ltmp0:
0xe: {  	s0 =	ssub.s32 s0, s25;
	s26 =	sadd.s32 $0x601200, s5;
	(pc) =	sbr.rel .LBB2_1-.Ltmp0, $4  }
0xf: {  	s4 =	smul.u32 $0x300, s4;
	s0 =	smax.u32 s0, $0x1;
	[dreg:$0x3] =	wrdreg s26  }
0x10: {  	v2 =	vlaneseq.u32;
	s25 =	simm.s32 $0x14900;
	s5 =	sadd.s32 $0x100, s2;
	[dreg:$0x4] =	wrdreg s0  }
0x11: {  	vm0 =	vmmov $0xffff;
	v1 =	vshrl.u32 v2, $0x3;
	s26 =	simm.s32 $0x15100;
	s0 =	simm.s32 $0x18100;
	s1 =	sadd.s32 s4, s1  }
0x12: {  	v0 =	vand.u32 $0x7, v2;
	v2 =	vor.u32 $0x8, v2;
	v1 =	vmul.u32 $0x8, v1;
	s4 =	simm.s32 $0x18900;
	s8 =	sadd.s32 $0x605200, s1;
	s1 =	simm.s32 $0x17900  }
.LBB2_6:
0x13: {  	s14 =	rddreg [dreg:$0x5]  }
0x14: {  	s13 =	rddreg [dreg:$0x4];
	s14 =	sadd.s32 $0x1, s14  }
0x15: {  	p0 =	sne.s32 s14, s13  }
.Ltmp1:
0x16: {  	_ = 	snop;
	(pc) =	sbr.rel @!p0 .LBB2_7-.Ltmp1, $1  }
0x17: {  	_ =	sdelay $0x3  }
.LBB2_1:
0x18: {  	[dreg:$0x5] =	wrdreg s14  }
0x19: {  	s13 =	rddreg [dreg:$0x3]  }
0x1a: {  	[tilespmem:s3], [sflag:$0x3] =	stream.linear.gather [hbm4b:s13+s3], $0x1000, $0x38;
	[tilespmem:$0x19100] =	vst v63  }
0x1b: {  	_ =	swait.ge [sflag:s9], $0x1000  }
0x1c: {  	[sflag:s9] =	ssyncset.done $0x0  }
0x1d: {  	[sflag:s9] =	ssyncadd.s32 $0xFFFFF000  }
0x1e: {  	v3 =	vld [tilespmem:$0x0];
	_ =	sdelay $0x4  }
0x1f: {  	v4 =	vshrl.u32 v3, $0x3  }
0x20: {  	v4 =	vmul.u32 $0x30, v4  }
0x21: {  	v5 =	vand.u32 $0x7, v3  }
0x22: {  	v6 =	vld [tilespmem:$0x10];
	v4 =	vor.u32 v5, v4  }
0x23: {  	v51 =	vld [tilespmem:$0x20];
	v7 =	vperm.xlane v4, v0  }
0x24: {  	v8 =	vld [tilespmem:$0x30]  }
0x25: {  	v7 =	vadd.s32 v1, v7  }
0x26: {  	[tilespmem:$0x1000] =	vst v3  }
0x27: {  	[tilespmem:$0x1010] =	vst v6  }
0x28: {  	[tilespmem:$0x1020] =	vst v51  }
0x29: {  	[tilespmem:$0x1030] =	vst v8;
	v3 =	vperm.xlane v4, v2  }
0x2a: {  	[tilespmem:s10], [sflag:$0x1] =	stream.indirect_vreg.gather [hbm4b:s2+s3], $0x80, v7, vm0, $0xb8;
	[tilespmem:$0x19100] =	vst v63  }
0x2b: {  	s14 =	simm.s32 $0x1900;
	v3 =	vadd.s32 v1, v3  }
0x2c: {  	[tilespmem:s14], [sflag:$0x1] =	stream.indirect_vreg.gather [hbm4b:s5+s3], $0x80, v7, vm0, $0xb8;
	[tilespmem:$0x19100] =	vst v63  }
0x2d: {  	s15 =	simm.s32 $0x2100  }
0x2e: {  	[tilespmem:s15], [sflag:$0x1] =	stream.indirect_vreg.gather [hbm4b:s6+s3], $0x80, v7, vm0, $0xb8;
	[tilespmem:$0x19100] =	vst v63  }
0x2f: {  	s14 =	simm.s32 $0x2900  }
0x30: {  	[tilespmem:s14], [sflag:$0x1] =	stream.indirect_vreg.gather [hbm4b:s2+s3], $0x80, v3, vm0, $0xb8;
	[tilespmem:$0x19100] =	vst v63  }
0x31: {  	s15 =	simm.s32 $0x3100  }
0x32: {  	[tilespmem:s15], [sflag:$0x1] =	stream.indirect_vreg.gather [hbm4b:s5+s3], $0x80, v3, vm0, $0xb8;
	[tilespmem:$0x19100] =	vst v63  }
0x33: {  	s14 =	simm.s32 $0x3900  }
0x34: {  	[tilespmem:s14], [sflag:$0x1] =	stream.indirect_vreg.gather [hbm4b:s6+s3], $0x80, v3, vm0, $0xb8;
	[tilespmem:$0x19100] =	vst v63  }
0x35: {  	v3 =	vld [tilespmem:$0x1010];
	_ =	sdelay $0x4  }
0x36: {  	v52 =	vshrl.u32 v3, $0x3  }
0x37: {  	v4 =	vmul.u32 $0x30, v52  }
0x38: {  	v3 =	vand.u32 $0x7, v3  }
0x39: {  	v3 =	vor.u32 v3, v4  }
0x3a: {  	v4 =	vperm.xlane v3, v0;
	_ =	sdelay $0x1  }
0x3b: {  	v4 =	vadd.s32 v1, v4;
	_ =	sdelay $0x3  }
0x3c: {  	s15 =	simm.s32 $0x4100;
	v3 =	vperm.xlane v3, v2  }
0x3d: {  	[tilespmem:s15], [sflag:$0x1] =	stream.indirect_vreg.gather [hbm4b:s2+s3], $0x80, v4, vm0, $0xb8;
	[tilespmem:$0x19100] =	vst v63  }
0x3e: {  	s14 =	simm.s32 $0x4900;
	v3 =	vadd.s32 v1, v3  }
0x3f: {  	[tilespmem:s14], [sflag:$0x1] =	stream.indirect_vreg.gather [hbm4b:s5+s3], $0x80, v4, vm0, $0xb8;
	[tilespmem:$0x19100] =	vst v63  }
0x40: {  	s15 =	simm.s32 $0x5100  }
0x41: {  	[tilespmem:s15], [sflag:$0x1] =	stream.indirect_vreg.gather [hbm4b:s6+s3], $0x80, v4, vm0, $0xb8;
	[tilespmem:$0x19100] =	vst v63  }
0x42: {  	s14 =	simm.s32 $0x5900  }
0x43: {  	[tilespmem:s14], [sflag:$0x1] =	stream.indirect_vreg.gather [hbm4b:s2+s3], $0x80, v3, vm0, $0xb8;
	[tilespmem:$0x19100] =	vst v63  }
0x44: {  	s15 =	simm.s32 $0x6100  }
0x45: {  	[tilespmem:s15], [sflag:$0x1] =	stream.indirect_vreg.gather [hbm4b:s5+s3], $0x80, v3, vm0, $0xb8;
	[tilespmem:$0x19100] =	vst v63  }
0x46: {  	s14 =	simm.s32 $0x6900  }
0x47: {  	[tilespmem:s14], [sflag:$0x1] =	stream.indirect_vreg.gather [hbm4b:s6+s3], $0x80, v3, vm0, $0xb8;
	[tilespmem:$0x19100] =	vst v63  }
0x48: {  	v3 =	vld [tilespmem:$0x1020];
	_ =	sdelay $0x4  }
0x49: {  	v53 =	vshrl.u32 v3, $0x3  }
0x4a: {  	v4 =	vmul.u32 $0x30, v53  }
0x4b: {  	v3 =	vand.u32 $0x7, v3  }
0x4c: {  	v3 =	vor.u32 v3, v4  }
0x4d: {  	v4 =	vperm.xlane v3, v0;
	_ =	sdelay $0x1  }
0x4e: {  	v4 =	vadd.s32 v1, v4;
	_ =	sdelay $0x3  }
0x4f: {  	s15 =	simm.s32 $0x7100;
	v3 =	vperm.xlane v3, v2  }
0x50: {  	[tilespmem:s15], [sflag:$0x1] =	stream.indirect_vreg.gather [hbm4b:s2+s3], $0x80, v4, vm0, $0xb8;
	[tilespmem:$0x19100] =	vst v63  }
0x51: {  	s14 =	simm.s32 $0x7900;
	v3 =	vadd.s32 v1, v3  }
0x52: {  	[tilespmem:s14], [sflag:$0x1] =	stream.indirect_vreg.gather [hbm4b:s5+s3], $0x80, v4, vm0, $0xb8;
	[tilespmem:$0x19100] =	vst v63  }
0x53: {  	s15 =	simm.s32 $0x8100  }
0x54: {  	[tilespmem:s15], [sflag:$0x1] =	stream.indirect_vreg.gather [hbm4b:s6+s3], $0x80, v4, vm0, $0xb8;
	[tilespmem:$0x19100] =	vst v63  }
0x55: {  	s14 =	simm.s32 $0x8900  }
0x56: {  	[tilespmem:s14], [sflag:$0x1] =	stream.indirect_vreg.gather [hbm4b:s2+s3], $0x80, v3, vm0, $0xb8;
	[tilespmem:$0x19100] =	vst v63  }
0x57: {  	s15 =	simm.s32 $0x9100  }
0x58: {  	[tilespmem:s15], [sflag:$0x1] =	stream.indirect_vreg.gather [hbm4b:s5+s3], $0x80, v3, vm0, $0xb8;
	[tilespmem:$0x19100] =	vst v63  }
0x59: {  	s14 =	simm.s32 $0x9900  }
0x5a: {  	[tilespmem:s14], [sflag:$0x1] =	stream.indirect_vreg.gather [hbm4b:s6+s3], $0x80, v3, vm0, $0xb8;
	[tilespmem:$0x19100] =	vst v63  }
0x5b: {  	v3 =	vld [tilespmem:$0x1030];
	_ =	sdelay $0x4  }
0x5c: {  	v54 =	vshrl.u32 v3, $0x3  }
0x5d: {  	v4 =	vmul.u32 $0x30, v54  }
0x5e: {  	v3 =	vand.u32 $0x7, v3  }
0x5f: {  	v3 =	vor.u32 v3, v4  }
0x60: {  	v4 =	vperm.xlane v3, v0;
	_ =	sdelay $0x1  }
0x61: {  	v4 =	vadd.s32 v1, v4;
	_ =	sdelay $0x3  }
0x62: {  	s15 =	simm.s32 $0xA100;
	v3 =	vperm.xlane v3, v2  }
0x63: {  	[tilespmem:s15], [sflag:$0x1] =	stream.indirect_vreg.gather [hbm4b:s2+s3], $0x80, v4, vm0, $0xb8;
	[tilespmem:$0x19100] =	vst v63  }
0x64: {  	s14 =	simm.s32 $0xA900;
	v3 =	vadd.s32 v1, v3  }
0x65: {  	[tilespmem:s14], [sflag:$0x1] =	stream.indirect_vreg.gather [hbm4b:s5+s3], $0x80, v4, vm0, $0xb8;
	[tilespmem:$0x19100] =	vst v63  }
0x66: {  	s15 =	simm.s32 $0xB100  }
0x67: {  	[tilespmem:s15], [sflag:$0x1] =	stream.indirect_vreg.gather [hbm4b:s6+s3], $0x80, v4, vm0, $0xb8;
	[tilespmem:$0x19100] =	vst v63  }
0x68: {  	s14 =	simm.s32 $0xB900  }
0x69: {  	[tilespmem:s14], [sflag:$0x1] =	stream.indirect_vreg.gather [hbm4b:s2+s3], $0x80, v3, vm0, $0xb8;
	[tilespmem:$0x19100] =	vst v63  }
0x6a: {  	s15 =	simm.s32 $0xC100  }
0x6b: {  	[tilespmem:s15], [sflag:$0x1] =	stream.indirect_vreg.gather [hbm4b:s5+s3], $0x80, v3, vm0, $0xb8;
	[tilespmem:$0x19100] =	vst v63  }
0x6c: {  	s14 =	simm.s32 $0xC900  }
0x6d: {  	[tilespmem:s14], [sflag:$0x1] =	stream.indirect_vreg.gather [hbm4b:s6+s3], $0x80, v3, vm0, $0xb8;
	[tilespmem:$0x19100] =	vst v63  }
0x6e: {  	v3 =	vld [tilespmem:$0x80];
	_ =	sdelay $0x4  }
0x6f: {  	v55 =	vshrl.u32 v3, $0x3  }
0x70: {  	v4 =	vmul.u32 $0x30, v55  }
0x71: {  	v56 =	vand.u32 $0x7, v3  }
0x72: {  	v57 =	vld [tilespmem:$0x90];
	v4 =	vor.u32 v56, v4  }
0x73: {  	v58 =	vld [tilespmem:$0xA0];
	v59 =	vperm.xlane v4, v0  }
0x74: {  	v60 =	vld [tilespmem:$0xB0]  }
0x75: {  	v7 =	vadd.s32 v1, v59  }
0x76: {  	[tilespmem:$0x1080] =	vst v3  }
0x77: {  	[tilespmem:$0x1090] =	vst v57  }
0x78: {  	[tilespmem:$0x10A0] =	vst v58  }
0x79: {  	[tilespmem:$0x10B0] =	vst v60;
	v3 =	vperm.xlane v4, v2  }
0x7a: {  	[tilespmem:s7], [sflag:$0x2] =	stream.indirect_vreg.gather [hbm4b:s2+s3], $0x80, v7, vm0, $0xb8;
	[tilespmem:$0x19100] =	vst v63  }
0x7b: {  	v3 =	vadd.s32 v1, v3  }
0x7c: {  	[tilespmem:s16], [sflag:$0x2] =	stream.indirect_vreg.gather [hbm4b:s5+s3], $0x80, v7, vm0, $0xb8;
	[tilespmem:$0x19100] =	vst v63  }
0x7d: {  	s15 =	simm.s32 $0xE100  }
0x7e: {  	[tilespmem:s15], [sflag:$0x2] =	stream.indirect_vreg.gather [hbm4b:s6+s3], $0x80, v7, vm0, $0xb8;
	[tilespmem:$0x19100] =	vst v63  }
0x7f: {  	s14 =	simm.s32 $0xE900  }
0x80: {  	[tilespmem:s14], [sflag:$0x2] =	stream.indirect_vreg.gather [hbm4b:s2+s3], $0x80, v3, vm0, $0xb8;
	[tilespmem:$0x19100] =	vst v63  }
0x81: {  	s15 =	simm.s32 $0xF100  }
0x82: {  	[tilespmem:s15], [sflag:$0x2] =	stream.indirect_vreg.gather [hbm4b:s5+s3], $0x80, v3, vm0, $0xb8;
	[tilespmem:$0x19100] =	vst v63  }
0x83: {  	s14 =	simm.s32 $0xF900  }
0x84: {  	[tilespmem:s14], [sflag:$0x2] =	stream.indirect_vreg.gather [hbm4b:s6+s3], $0x80, v3, vm0, $0xb8;
	[tilespmem:$0x19100] =	vst v63  }
0x85: {  	v3 =	vld [tilespmem:$0x1090];
	_ =	sdelay $0x4  }
0x86: {  	v61 =	vshrl.u32 v3, $0x3  }
0x87: {  	v4 =	vmul.u32 $0x30, v61  }
0x88: {  	v3 =	vand.u32 $0x7, v3  }
0x89: {  	v3 =	vor.u32 v3, v4  }
0x8a: {  	v4 =	vperm.xlane v3, v0;
	_ =	sdelay $0x1  }
0x8b: {  	v4 =	vadd.s32 v1, v4;
	_ =	sdelay $0x3  }
0x8c: {  	s15 =	simm.s32 $0x10100;
	v3 =	vperm.xlane v3, v2  }
0x8d: {  	[tilespmem:s15], [sflag:$0x2] =	stream.indirect_vreg.gather [hbm4b:s2+s3], $0x80, v4, vm0, $0xb8;
	[tilespmem:$0x19100] =	vst v63  }
0x8e: {  	v3 =	vadd.s32 v1, v3  }
0x8f: {  	[tilespmem:s17], [sflag:$0x2] =	stream.indirect_vreg.gather [hbm4b:s5+s3], $0x80, v4, vm0, $0xb8;
	[tilespmem:$0x19100] =	vst v63  }
0x90: {  	_ = 	snop  }
0x91: {  	[tilespmem:s18], [sflag:$0x2] =	stream.indirect_vreg.gather [hbm4b:s6+s3], $0x80, v4, vm0, $0xb8;
	[tilespmem:$0x19100] =	vst v63  }
0x92: {  	_ = 	snop  }
0x93: {  	[tilespmem:s19], [sflag:$0x2] =	stream.indirect_vreg.gather [hbm4b:s2+s3], $0x80, v3, vm0, $0xb8;
	[tilespmem:$0x19100] =	vst v63  }
0x94: {  	_ = 	snop  }
0x95: {  	[tilespmem:s20], [sflag:$0x2] =	stream.indirect_vreg.gather [hbm4b:s5+s3], $0x80, v3, vm0, $0xb8;
	[tilespmem:$0x19100] =	vst v63  }
0x96: {  	_ = 	snop  }
0x97: {  	[tilespmem:s21], [sflag:$0x2] =	stream.indirect_vreg.gather [hbm4b:s6+s3], $0x80, v3, vm0, $0xb8;
	[tilespmem:$0x19100] =	vst v63  }
0x98: {  	v3 =	vld [tilespmem:$0x10A0];
	_ =	sdelay $0x4  }
0x99: {  	v62 =	vshrl.u32 v3, $0x3  }
0x9a: {  	v4 =	vmul.u32 $0x30, v62  }
0x9b: {  	v3 =	vand.u32 $0x7, v3  }
0x9c: {  	v3 =	vor.u32 v3, v4  }
0x9d: {  	v4 =	vperm.xlane v3, v0;
	_ =	sdelay $0x1  }
0x9e: {  	v4 =	vadd.s32 v1, v4;
	_ =	sdelay $0x3  }
0x9f: {  	v3 =	vperm.xlane v3, v2  }
0xa0: {  	[tilespmem:s22], [sflag:$0x2] =	stream.indirect_vreg.gather [hbm4b:s2+s3], $0x80, v4, vm0, $0xb8;
	[tilespmem:$0x19100] =	vst v63  }
0xa1: {  	v3 =	vadd.s32 v1, v3  }
0xa2: {  	[tilespmem:s23], [sflag:$0x2] =	stream.indirect_vreg.gather [hbm4b:s5+s3], $0x80, v4, vm0, $0xb8;
	[tilespmem:$0x19100] =	vst v63  }
0xa3: {  	_ = 	snop  }
0xa4: {  	[tilespmem:s24], [sflag:$0x2] =	stream.indirect_vreg.gather [hbm4b:s6+s3], $0x80, v4, vm0, $0xb8;
	[tilespmem:$0x19100] =	vst v63  }
0xa5: {  	_ = 	snop  }
0xa6: {  	[tilespmem:s25], [sflag:$0x2] =	stream.indirect_vreg.gather [hbm4b:s2+s3], $0x80, v3, vm0, $0xb8;
	[tilespmem:$0x19100] =	vst v63  }
0xa7: {  	_ = 	snop  }
0xa8: {  	[tilespmem:s26], [sflag:$0x2] =	stream.indirect_vreg.gather [hbm4b:s5+s3], $0x80, v3, vm0, $0xb8;
	[tilespmem:$0x19100] =	vst v63  }
0xa9: {  	_ = 	snop  }
0xaa: {  	[tilespmem:s28], [sflag:$0x2] =	stream.indirect_vreg.gather [hbm4b:s6+s3], $0x80, v3, vm0, $0xb8;
	[tilespmem:$0x19100] =	vst v63  }
0xab: {  	v3 =	vld [tilespmem:$0x10B0];
	_ =	sdelay $0x4  }
0xac: {  	v63 =	vshrl.u32 v3, $0x3  }
0xad: {  	v4 =	vmul.u32 $0x30, v63  }
0xae: {  	v3 =	vand.u32 $0x7, v3  }
0xaf: {  	v3 =	vor.u32 v3, v4  }
0xb0: {  	v4 =	vperm.xlane v3, v0;
	_ =	sdelay $0x1  }
0xb1: {  	v4 =	vadd.s32 v1, v4;
	_ =	sdelay $0x3  }
0xb2: {  	v3 =	vperm.xlane v3, v2  }
0xb3: {  	[tilespmem:s29], [sflag:$0x2] =	stream.indirect_vreg.gather [hbm4b:s2+s3], $0x80, v4, vm0, $0xb8;
	[tilespmem:$0x19100] =	vst v63  }
0xb4: {  	v3 =	vadd.s32 v1, v3  }
0xb5: {  	[tilespmem:s30], [sflag:$0x2] =	stream.indirect_vreg.gather [hbm4b:s5+s3], $0x80, v4, vm0, $0xb8;
	[tilespmem:$0x19100] =	vst v63  }
0xb6: {  	_ = 	snop  }
0xb7: {  	[tilespmem:s31], [sflag:$0x2] =	stream.indirect_vreg.gather [hbm4b:s6+s3], $0x80, v4, vm0, $0xb8;
	[tilespmem:$0x19100] =	vst v63  }
0xb8: {  	_ = 	snop  }
0xb9: {  	[tilespmem:s1], [sflag:$0x2] =	stream.indirect_vreg.gather [hbm4b:s2+s3], $0x80, v3, vm0, $0xb8;
	[tilespmem:$0x19100] =	vst v63  }
0xba: {  	_ = 	snop  }
0xbb: {  	[tilespmem:s0], [sflag:$0x2] =	stream.indirect_vreg.gather [hbm4b:s5+s3], $0x80, v3, vm0, $0xb8;
	[tilespmem:$0x19100] =	vst v63  }
0xbc: {  	s13 =	simm.s32 $0x1B0;
	s14 =	simm.s32 $0x0  }
0xbd: {  	[tilespmem:s4], [sflag:$0x2] =	stream.indirect_vreg.gather [hbm4b:s6+s3], $0x80, v3, vm0, $0xb8;
	[tilespmem:$0x19100] =	vst v63  }
.LBB2_2:
0xbe: {  	_ =	swait.ge [sflag:s11], $0xC000  }
0xbf: {  	p0 =	seq.s32 s14, $0x2D000;
	[sflag:s11] =	ssyncset.done $0x0  }
.Ltmp2:
0xc0: {  	s15 =	sadd.s32 s14, s8;
	[sflag:s11] =	ssyncadd.s32 $0xFFFF4000;
	(pc) =	sbr.rel @p0 .LBB2_4-.Ltmp2, $4  }
0xc1: {  	[hbm4b:s15+s3] =	stream.linear.scatter [tilespmem:s10], [sflag:$0x3], $0xC000, $0x38;
	[tilespmem:$0x19100] =	vst v63  }
0xc2: {  	_ =	swait.ge [sflag:s9], $0xC000  }
0xc3: {  	[sflag:s9] =	ssyncset.done $0x0  }
0xc4: {  	[sflag:s9] =	ssyncadd.s32 $0xFFFF4000  }
0xc5: {  	v3 =	vld [tilespmem:s13+$0xFFFFFF50];
	_ =	sdelay $0x4  }
0xc6: {  	[tilespmem:$0x1000] =	vst v3  }
0xc7: {  	v4 =	vld [tilespmem:s13+$0xFFFFFF60];
	_ =	sdelay $0x4  }
0xc8: {  	[tilespmem:$0x1010] =	vst v4  }
0xc9: {  	v4 =	vld [tilespmem:s13+$0xFFFFFF70]  }
0xca: {  	v5 =	vshrl.u32 v3, $0x3  }
0xcb: {  	v5 =	vmul.u32 $0x30, v5  }
0xcc: {  	v3 =	vand.u32 $0x7, v3  }
0xcd: {  	v3 =	vor.u32 v3, v5  }
0xce: {  	v59 =	vperm.xlane v3, v0;
	[tilespmem:$0x1020] =	vst v4  }
0xcf: {  	v60 =	vld [tilespmem:s13+$0xFFFFFF80]  }
0xd0: {  	v4 =	vadd.s32 v1, v59;
	_ =	sdelay $0x3  }
0xd1: {  	v3 =	vperm.xlane v3, v2;
	[tilespmem:$0x1030] =	vst v60  }
0xd2: {  	[tilespmem:s10], [sflag:$0x1] =	stream.indirect_vreg.gather [hbm4b:s2+s3], $0x80, v4, vm0, $0xb8;
	[tilespmem:$0x19100] =	vst v63  }
0xd3: {  	s16 =	simm.s32 $0x1900;
	v3 =	vadd.s32 v1, v3  }
0xd4: {  	[tilespmem:s16], [sflag:$0x1] =	stream.indirect_vreg.gather [hbm4b:s5+s3], $0x80, v4, vm0, $0xb8;
	[tilespmem:$0x19100] =	vst v63  }
0xd5: {  	s16 =	simm.s32 $0x2100  }
0xd6: {  	[tilespmem:s16], [sflag:$0x1] =	stream.indirect_vreg.gather [hbm4b:s6+s3], $0x80, v4, vm0, $0xb8;
	[tilespmem:$0x19100] =	vst v63  }
0xd7: {  	s16 =	simm.s32 $0x2900  }
0xd8: {  	[tilespmem:s16], [sflag:$0x1] =	stream.indirect_vreg.gather [hbm4b:s2+s3], $0x80, v3, vm0, $0xb8;
	[tilespmem:$0x19100] =	vst v63  }
0xd9: {  	s16 =	simm.s32 $0x3100  }
0xda: {  	[tilespmem:s16], [sflag:$0x1] =	stream.indirect_vreg.gather [hbm4b:s5+s3], $0x80, v3, vm0, $0xb8;
	[tilespmem:$0x19100] =	vst v63  }
0xdb: {  	s16 =	simm.s32 $0x3900  }
0xdc: {  	[tilespmem:s16], [sflag:$0x1] =	stream.indirect_vreg.gather [hbm4b:s6+s3], $0x80, v3, vm0, $0xb8;
	[tilespmem:$0x19100] =	vst v63  }
0xdd: {  	v3 =	vld [tilespmem:$0x1010];
	_ =	sdelay $0x4  }
0xde: {  	v61 =	vshrl.u32 v3, $0x3  }
0xdf: {  	v4 =	vmul.u32 $0x30, v61  }
0xe0: {  	v3 =	vand.u32 $0x7, v3  }
0xe1: {  	v3 =	vor.u32 v3, v4  }
0xe2: {  	v4 =	vperm.xlane v3, v0;
	_ =	sdelay $0x1  }
0xe3: {  	v4 =	vadd.s32 v1, v4;
	_ =	sdelay $0x3  }
0xe4: {  	s16 =	simm.s32 $0x4100;
	v3 =	vperm.xlane v3, v2  }
0xe5: {  	[tilespmem:s16], [sflag:$0x1] =	stream.indirect_vreg.gather [hbm4b:s2+s3], $0x80, v4, vm0, $0xb8;
	[tilespmem:$0x19100] =	vst v63  }
0xe6: {  	v3 =	vadd.s32 v1, v3;
	s16 =	simm.s32 $0x4900  }
0xe7: {  	[tilespmem:s16], [sflag:$0x1] =	stream.indirect_vreg.gather [hbm4b:s5+s3], $0x80, v4, vm0, $0xb8;
	[tilespmem:$0x19100] =	vst v63  }
0xe8: {  	s16 =	simm.s32 $0x5100  }
0xe9: {  	[tilespmem:s16], [sflag:$0x1] =	stream.indirect_vreg.gather [hbm4b:s6+s3], $0x80, v4, vm0, $0xb8;
	[tilespmem:$0x19100] =	vst v63  }
0xea: {  	s16 =	simm.s32 $0x5900  }
0xeb: {  	[tilespmem:s16], [sflag:$0x1] =	stream.indirect_vreg.gather [hbm4b:s2+s3], $0x80, v3, vm0, $0xb8;
	[tilespmem:$0x19100] =	vst v63  }
0xec: {  	s16 =	simm.s32 $0x6100  }
0xed: {  	[tilespmem:s16], [sflag:$0x1] =	stream.indirect_vreg.gather [hbm4b:s5+s3], $0x80, v3, vm0, $0xb8;
	[tilespmem:$0x19100] =	vst v63  }
0xee: {  	s16 =	simm.s32 $0x6900  }
0xef: {  	[tilespmem:s16], [sflag:$0x1] =	stream.indirect_vreg.gather [hbm4b:s6+s3], $0x80, v3, vm0, $0xb8;
	[tilespmem:$0x19100] =	vst v63  }
0xf0: {  	v3 =	vld [tilespmem:$0x1020];
	_ =	sdelay $0x4  }
0xf1: {  	v62 =	vshrl.u32 v3, $0x3  }
0xf2: {  	v4 =	vmul.u32 $0x30, v62  }
0xf3: {  	v3 =	vand.u32 $0x7, v3  }
0xf4: {  	v3 =	vor.u32 v3, v4  }
0xf5: {  	v4 =	vperm.xlane v3, v0;
	_ =	sdelay $0x1  }
0xf6: {  	v4 =	vadd.s32 v1, v4;
	_ =	sdelay $0x3  }
0xf7: {  	s16 =	simm.s32 $0x7100;
	v3 =	vperm.xlane v3, v2  }
0xf8: {  	[tilespmem:s16], [sflag:$0x1] =	stream.indirect_vreg.gather [hbm4b:s2+s3], $0x80, v4, vm0, $0xb8;
	[tilespmem:$0x19100] =	vst v63  }
0xf9: {  	v3 =	vadd.s32 v1, v3;
	s16 =	simm.s32 $0x7900  }
0xfa: {  	[tilespmem:s16], [sflag:$0x1] =	stream.indirect_vreg.gather [hbm4b:s5+s3], $0x80, v4, vm0, $0xb8;
	[tilespmem:$0x19100] =	vst v63  }
0xfb: {  	s16 =	simm.s32 $0x8100  }
0xfc: {  	[tilespmem:s16], [sflag:$0x1] =	stream.indirect_vreg.gather [hbm4b:s6+s3], $0x80, v4, vm0, $0xb8;
	[tilespmem:$0x19100] =	vst v63  }
0xfd: {  	s16 =	simm.s32 $0x8900  }
0xfe: {  	[tilespmem:s16], [sflag:$0x1] =	stream.indirect_vreg.gather [hbm4b:s2+s3], $0x80, v3, vm0, $0xb8;
	[tilespmem:$0x19100] =	vst v63  }
0xff: {  	s16 =	simm.s32 $0x9100  }
0x100: {  	[tilespmem:s16], [sflag:$0x1] =	stream.indirect_vreg.gather [hbm4b:s5+s3], $0x80, v3, vm0, $0xb8;
	[tilespmem:$0x19100] =	vst v63  }
0x101: {  	s16 =	simm.s32 $0x9900  }
0x102: {  	[tilespmem:s16], [sflag:$0x1] =	stream.indirect_vreg.gather [hbm4b:s6+s3], $0x80, v3, vm0, $0xb8;
	[tilespmem:$0x19100] =	vst v63  }
0x103: {  	v3 =	vld [tilespmem:$0x1030];
	_ =	sdelay $0x4  }
0x104: {  	v63 =	vshrl.u32 v3, $0x3  }
0x105: {  	v4 =	vmul.u32 $0x30, v63  }
0x106: {  	v3 =	vand.u32 $0x7, v3  }
0x107: {  	v3 =	vor.u32 v3, v4  }
0x108: {  	v4 =	vperm.xlane v3, v0;
	_ =	sdelay $0x1  }
0x109: {  	v4 =	vadd.s32 v1, v4;
	_ =	sdelay $0x3  }
0x10a: {  	s16 =	simm.s32 $0xA100;
	v3 =	vperm.xlane v3, v2  }
0x10b: {  	[tilespmem:s16], [sflag:$0x1] =	stream.indirect_vreg.gather [hbm4b:s2+s3], $0x80, v4, vm0, $0xb8;
	[tilespmem:$0x19100] =	vst v63  }
0x10c: {  	v3 =	vadd.s32 v1, v3;
	s16 =	simm.s32 $0xA900  }
0x10d: {  	[tilespmem:s16], [sflag:$0x1] =	stream.indirect_vreg.gather [hbm4b:s5+s3], $0x80, v4, vm0, $0xb8;
	[tilespmem:$0x19100] =	vst v63  }
0x10e: {  	s16 =	simm.s32 $0xB100  }
0x10f: {  	[tilespmem:s16], [sflag:$0x1] =	stream.indirect_vreg.gather [hbm4b:s6+s3], $0x80, v4, vm0, $0xb8;
	[tilespmem:$0x19100] =	vst v63  }
0x110: {  	s16 =	simm.s32 $0xB900  }
0x111: {  	[tilespmem:s16], [sflag:$0x1] =	stream.indirect_vreg.gather [hbm4b:s2+s3], $0x80, v3, vm0, $0xb8;
	[tilespmem:$0x19100] =	vst v63  }
0x112: {  	s16 =	simm.s32 $0xC100  }
0x113: {  	[tilespmem:s16], [sflag:$0x1] =	stream.indirect_vreg.gather [hbm4b:s5+s3], $0x80, v3, vm0, $0xb8;
	[tilespmem:$0x19100] =	vst v63  }
0x114: {  	s16 =	simm.s32 $0xC900  }
0x115: {  	[tilespmem:s16], [sflag:$0x1] =	stream.indirect_vreg.gather [hbm4b:s6+s3], $0x80, v3, vm0, $0xb8;
	[tilespmem:$0x19100] =	vst v63  }
0x116: {  	s16 =	simm.s32 $0xD900  }
.LBB2_4:
0x117: {  	_ =	swait.ge [sflag:s12], $0xC000  }
0x118: {  	[sflag:s12] =	ssyncset.done $0x0  }
.Ltmp3:
0x119: {  	s15 =	sadd.s32 $0x1800, s15;
	[sflag:s12] =	ssyncadd.s32 $0xFFFF4000;
	(pc) =	sbr.rel @p0 .LBB2_6-.Ltmp3, $4  }
0x11a: {  	[hbm4b:s15+s3] =	stream.linear.scatter [tilespmem:s7], [sflag:$0x3], $0xC000, $0x38;
	[tilespmem:$0x19100] =	vst v63  }
0x11b: {  	_ =	swait.ge [sflag:s9], $0xC000  }
0x11c: {  	[sflag:s9] =	ssyncset.done $0x0  }
0x11d: {  	[sflag:s9] =	ssyncadd.s32 $0xFFFF4000  }
0x11e: {  	v3 =	vld [tilespmem:s13+$0xFFFFFFD0];
	_ =	sdelay $0x4  }
0x11f: {  	[tilespmem:$0x1080] =	vst v3  }
0x120: {  	v4 =	vld [tilespmem:s13+$0xFFFFFFE0];
	_ =	sdelay $0x4  }
0x121: {  	[tilespmem:$0x1090] =	vst v4  }
0x122: {  	v4 =	vld [tilespmem:s13+$0xFFFFFFF0]  }
0x123: {  	v5 =	vshrl.u32 v3, $0x3  }
0x124: {  	v5 =	vmul.u32 $0x30, v5  }
0x125: {  	v3 =	vand.u32 $0x7, v3  }
0x126: {  	v3 =	vor.u32 v3, v5  }
0x127: {  	v59 =	vperm.xlane v3, v0;
	[tilespmem:$0x10A0] =	vst v4  }
0x128: {  	v60 =	vld [tilespmem:s13+$0x0]  }
0x129: {  	v4 =	vadd.s32 v1, v59;
	_ =	sdelay $0x3  }
0x12a: {  	v3 =	vperm.xlane v3, v2;
	[tilespmem:$0x10B0] =	vst v60  }
0x12b: {  	[tilespmem:s7], [sflag:$0x2] =	stream.indirect_vreg.gather [hbm4b:s2+s3], $0x80, v4, vm0, $0xb8;
	[tilespmem:$0x19100] =	vst v63  }
0x12c: {  	v3 =	vadd.s32 v1, v3  }
0x12d: {  	[tilespmem:s16], [sflag:$0x2] =	stream.indirect_vreg.gather [hbm4b:s5+s3], $0x80, v4, vm0, $0xb8;
	[tilespmem:$0x19100] =	vst v63  }
0x12e: {  	s15 =	simm.s32 $0xE100  }
0x12f: {  	[tilespmem:s15], [sflag:$0x2] =	stream.indirect_vreg.gather [hbm4b:s6+s3], $0x80, v4, vm0, $0xb8;
	[tilespmem:$0x19100] =	vst v63  }
0x130: {  	s15 =	simm.s32 $0xE900  }
0x131: {  	[tilespmem:s15], [sflag:$0x2] =	stream.indirect_vreg.gather [hbm4b:s2+s3], $0x80, v3, vm0, $0xb8;
	[tilespmem:$0x19100] =	vst v63  }
0x132: {  	s15 =	simm.s32 $0xF100  }
0x133: {  	[tilespmem:s15], [sflag:$0x2] =	stream.indirect_vreg.gather [hbm4b:s5+s3], $0x80, v3, vm0, $0xb8;
	[tilespmem:$0x19100] =	vst v63  }
0x134: {  	s15 =	simm.s32 $0xF900  }
0x135: {  	[tilespmem:s15], [sflag:$0x2] =	stream.indirect_vreg.gather [hbm4b:s6+s3], $0x80, v3, vm0, $0xb8;
	[tilespmem:$0x19100] =	vst v63  }
0x136: {  	v3 =	vld [tilespmem:$0x1090];
	_ =	sdelay $0x4  }
0x137: {  	v61 =	vshrl.u32 v3, $0x3  }
0x138: {  	v4 =	vmul.u32 $0x30, v61  }
0x139: {  	v3 =	vand.u32 $0x7, v3  }
0x13a: {  	v3 =	vor.u32 v3, v4  }
0x13b: {  	v4 =	vperm.xlane v3, v0;
	_ =	sdelay $0x1  }
0x13c: {  	v4 =	vadd.s32 v1, v4;
	_ =	sdelay $0x3  }
0x13d: {  	s15 =	simm.s32 $0x10100;
	v3 =	vperm.xlane v3, v2  }
0x13e: {  	[tilespmem:s15], [sflag:$0x2] =	stream.indirect_vreg.gather [hbm4b:s2+s3], $0x80, v4, vm0, $0xb8;
	[tilespmem:$0x19100] =	vst v63  }
0x13f: {  	v3 =	vadd.s32 v1, v3  }
0x140: {  	[tilespmem:s17], [sflag:$0x2] =	stream.indirect_vreg.gather [hbm4b:s5+s3], $0x80, v4, vm0, $0xb8;
	[tilespmem:$0x19100] =	vst v63  }
0x141: {  	_ = 	snop  }
0x142: {  	[tilespmem:s18], [sflag:$0x2] =	stream.indirect_vreg.gather [hbm4b:s6+s3], $0x80, v4, vm0, $0xb8;
	[tilespmem:$0x19100] =	vst v63  }
0x143: {  	_ = 	snop  }
0x144: {  	[tilespmem:s19], [sflag:$0x2] =	stream.indirect_vreg.gather [hbm4b:s2+s3], $0x80, v3, vm0, $0xb8;
	[tilespmem:$0x19100] =	vst v63  }
0x145: {  	_ = 	snop  }
0x146: {  	[tilespmem:s20], [sflag:$0x2] =	stream.indirect_vreg.gather [hbm4b:s5+s3], $0x80, v3, vm0, $0xb8;
	[tilespmem:$0x19100] =	vst v63  }
0x147: {  	_ = 	snop  }
0x148: {  	[tilespmem:s21], [sflag:$0x2] =	stream.indirect_vreg.gather [hbm4b:s6+s3], $0x80, v3, vm0, $0xb8;
	[tilespmem:$0x19100] =	vst v63  }
0x149: {  	v3 =	vld [tilespmem:$0x10A0];
	_ =	sdelay $0x4  }
0x14a: {  	v62 =	vshrl.u32 v3, $0x3  }
0x14b: {  	v4 =	vmul.u32 $0x30, v62  }
0x14c: {  	v3 =	vand.u32 $0x7, v3  }
0x14d: {  	v3 =	vor.u32 v3, v4  }
0x14e: {  	v4 =	vperm.xlane v3, v0;
	_ =	sdelay $0x1  }
0x14f: {  	v4 =	vadd.s32 v1, v4;
	_ =	sdelay $0x3  }
0x150: {  	v3 =	vperm.xlane v3, v2  }
0x151: {  	[tilespmem:s22], [sflag:$0x2] =	stream.indirect_vreg.gather [hbm4b:s2+s3], $0x80, v4, vm0, $0xb8;
	[tilespmem:$0x19100] =	vst v63  }
0x152: {  	v3 =	vadd.s32 v1, v3  }
0x153: {  	[tilespmem:s23], [sflag:$0x2] =	stream.indirect_vreg.gather [hbm4b:s5+s3], $0x80, v4, vm0, $0xb8;
	[tilespmem:$0x19100] =	vst v63  }
0x154: {  	_ = 	snop  }
0x155: {  	[tilespmem:s24], [sflag:$0x2] =	stream.indirect_vreg.gather [hbm4b:s6+s3], $0x80, v4, vm0, $0xb8;
	[tilespmem:$0x19100] =	vst v63  }
0x156: {  	_ = 	snop  }
0x157: {  	[tilespmem:s25], [sflag:$0x2] =	stream.indirect_vreg.gather [hbm4b:s2+s3], $0x80, v3, vm0, $0xb8;
	[tilespmem:$0x19100] =	vst v63  }
0x158: {  	_ = 	snop  }
0x159: {  	[tilespmem:s26], [sflag:$0x2] =	stream.indirect_vreg.gather [hbm4b:s5+s3], $0x80, v3, vm0, $0xb8;
	[tilespmem:$0x19100] =	vst v63  }
0x15a: {  	_ = 	snop  }
0x15b: {  	[tilespmem:s28], [sflag:$0x2] =	stream.indirect_vreg.gather [hbm4b:s6+s3], $0x80, v3, vm0, $0xb8;
	[tilespmem:$0x19100] =	vst v63  }
0x15c: {  	v3 =	vld [tilespmem:$0x10B0];
	_ =	sdelay $0x4  }
0x15d: {  	v63 =	vshrl.u32 v3, $0x3  }
0x15e: {  	v4 =	vmul.u32 $0x30, v63  }
0x15f: {  	v3 =	vand.u32 $0x7, v3  }
0x160: {  	v3 =	vor.u32 v3, v4  }
0x161: {  	v4 =	vperm.xlane v3, v0;
	_ =	sdelay $0x1  }
0x162: {  	v4 =	vadd.s32 v1, v4;
	_ =	sdelay $0x3  }
0x163: {  	v3 =	vperm.xlane v3, v2  }
0x164: {  	[tilespmem:s29], [sflag:$0x2] =	stream.indirect_vreg.gather [hbm4b:s2+s3], $0x80, v4, vm0, $0xb8;
	[tilespmem:$0x19100] =	vst v63  }
0x165: {  	v3 =	vadd.s32 v1, v3  }
0x166: {  	[tilespmem:s30], [sflag:$0x2] =	stream.indirect_vreg.gather [hbm4b:s5+s3], $0x80, v4, vm0, $0xb8;
	[tilespmem:$0x19100] =	vst v63  }
0x167: {  	_ = 	snop  }
0x168: {  	[tilespmem:s31], [sflag:$0x2] =	stream.indirect_vreg.gather [hbm4b:s6+s3], $0x80, v4, vm0, $0xb8;
	[tilespmem:$0x19100] =	vst v63  }
0x169: {  	_ = 	snop  }
0x16a: {  	[tilespmem:s1], [sflag:$0x2] =	stream.indirect_vreg.gather [hbm4b:s2+s3], $0x80, v3, vm0, $0xb8;
	[tilespmem:$0x19100] =	vst v63  }
.Ltmp4:
0x16b: {  	_ = 	snop;
	(pc) =	sbr.rel .LBB2_2-.Ltmp4, $4  }
0x16c: {  	_ = 	snop  }
0x16d: {  	[tilespmem:s0], [sflag:$0x2] =	stream.indirect_vreg.gather [hbm4b:s5+s3], $0x80, v3, vm0, $0xb8;
	[tilespmem:$0x19100] =	vst v63  }
0x16e: {  	s14 =	sadd.s32 $0x3000, s14;
	s13 =	sadd.s32 $0x100, s13  }
0x16f: {  	[tilespmem:s4], [sflag:$0x2] =	stream.indirect_vreg.gather [hbm4b:s6+s3], $0x80, v3, vm0, $0xb8;
	[tilespmem:$0x19100] =	vst v63  }
.LBB2_7:
0x170: {  	_ =	sfence.sel $0x180000  }
0x171: {  	[bflag:$0x0] =	sbarrier.arrive $0xFFFF  }
0x172: {  	_ =	strace $0x9000004A  }
0x173: {  	s0 =	stileid.u32;
	[bflag:$0x2] =	sbarrier.arrive $0xFFFF  }
0x174: {  	p0 =	sne.s32 s0, $0x0;
	s0 =	rddreg [dreg:$0x2]  }
0x175: {  	s0 =	sadd.s32 @!p0 $0x100000, s0  }
0x176: {  	[sflag:s0] =	ssyncadd.tile.s32 @!p0 $0x1;
	_ =	shalt  }
.Lfunc_end2:
_tile_overlayer_lowered:
.L_overlay_start_2:
0x177: {  	(tag) =	ssettag $0x2  }
0x178: {  	s0 =	rddreg [dreg:$0x0];
	s2 =	stileid.u32  }
0x179: {  	s1 =	rddreg [dreg:$0x1];
	p0 =	sne.s32 s2, $0x0  }
0x17a: {  	s3 =	rddreg [dreg:$0x2];
	[bflag:$0x3] =	sbarrier.arrive $0xFFFF;
	s2 =	simm.s32 @!p0 $0x1C03  }
0x17b: {  	[timem:s3], [sflag:s2] =	dma.local @!p0 [hbm:s0], s1  }
0x17c: {  	s0 =	simm.s32 @!p0 $0x3  }
0x17d: {  	_ =	swait.ge @!p0 [sflag:s0], s1  }
0x17e: {  	s1 =	ssub.s32 @!p0 $0x0, s1;
	[sflag:s0] =	ssyncset.done @!p0 $0x0  }
0x17f: {  	[sflag:s0] =	ssyncadd.s32 @!p0 s1  }
0x180: {  	[bflag:$0x3] =	sbarrier.arrive $0xFFFF  }
0x181: {  	_ =	shalt  }

// kernel: kernel.7.cloned.1.call-start
scs
__scs_entry_jumppad:
0x0: {  	(pc) =	sbr.rel $0x88, $3  }
0x1: {  	(tag) =	ssettag $0x0;
	lr =	simm.s32 $0x1  }
0x2: {  	[smem:$0x3F95] =	sst lr;
	_ =	strace $0xD0000000  }
0x3: {  	_ = 	snop  }
0x4: {  	_ = 	snop  }
0x5: {  	_ = 	snop  }
0x6: {  	_ = 	snop  }
0x7: {  	_ = 	snop  }
__scs_overlays_trampoline_lowered:
0x8: {  	[smem:$0x3FA4] =	sst s0  }
0x9: {  	[smem:$0x3FA5] =	sst s1  }
0xa: {  	[smem:$0x3FA6] =	sst s2  }
0xb: {  	[smem:$0x3FA7] =	sst s3  }
0xc: {  	[smem:$0x3FA8] =	sst s4  }
0xd: {  	[smem:$0x3FA9] =	sst s5  }
0xe: {  	[smem:$0x3FAA] =	sst s6  }
0xf: {  	[smem:$0x3FAB] =	sst s7  }
0x10: {  	[smem:$0x3FAC] =	sst s8  }
0x11: {  	[smem:$0x3FAD] =	sst s9;
	s0 =	simm.s32 @!p0 $0x0  }
0x12: {  	s1 =	sld [smem:$0x3F93];
	s0 =	simm.s32 @p0 $0x1  }
0x13: {  	[smem:$0x3FAE] =	sst s0;
	s0 =	simm.s32 @!p1 $0x0  }
0x14: {  	s2 =	sld [smem:$0x3F92];
	s0 =	simm.s32 @p1 $0x1  }
0x15: {  	[smem:$0x3FAF] =	sst s0;
	s0 =	simm.s32 @!p2 $0x0  }
0x16: {  	s3 =	sld [smem:$0x3FDB];
	s0 =	simm.s32 @p2 $0x1  }
0x17: {  	s4 =	simm.s32 $0x1BF5;
	[smem:$0x3FB1] =	sst s0  }
0x18: {  	s0 =	sld [smem:$0x3F94];
	_ =	swait.ge [sflag:s4], $0x0  }
0x19: {  	s7 =	sld [smem:$0x3F95]  }
0x1a: {  	s8 =	sadd.s32 $0xFFFFE003, lr  }
0x1b: {  	s9 =	sadd.s32 $0xFFFFFEF7, lr;
	s5 =	simm.s32 $0xFFFFFFFF;
	p2 =	slt.u32 s8, $0xFFFFF086  }
0x1c: {  	p1 =	slt.u32 s9, $0xF7A;
	s5 =	simm.s32 @!p2 $0x0  }
0x1d: {  	s5 =	simm.s32 @p1 $0x1;
	p0 =	seq.s32 s7, s2  }
0x1e: {  	s7 =	smul.u32 @!p0 $0xF7A, s2;
	p2 =	seq.s32 @!p0 s5, $0x0  }
0x1f: {  	s9 =	smul.u32 $0xF7A, s1;
	s8 =	simm.s32 @!p0 $0x1BF5;
	p2 =	por !p2, p0  }
0x20: {  	[sflag:s8] =	ssyncset.s32 @!p0 $0xFFFFF086;
	s6 =	sadd.s32 @!p0 s3, s7;
	s7 =	simm.s32 @!p0 $0x108  }
0x21: {  	s3 =	sadd.s32 s3, s9;
	s6 =	sadd.s32 @!p0 $0x88, s6;
	s7 =	simm.s32 @p2 $0x1082  }
0x22: {  	[simem:s7], [sflag:s8] =	dma.local @!p0 [hbm:s6], $0xF7A  }
0x23: {  	s9 =	sor.u32 $0xD0000000, s2;
	s6 =	simm.s32 $0x108;
	_ =	swait.ge @!p0 [sflag:s8], $0x0  }
0x24: {  	s3 =	sadd.s32 $0x88, s3;
	s6 =	simm.s32 @!p1 $0x1082;
	[sflag:s4] =	ssyncset.s32 $0xFFFFF086  }
0x25: {  	[simem:s6], [sflag:s4] =	dma.local [hbm:s3], $0xF7A  }
0x26: {  	[smem:$0x3F95] =	sst s1;
	(tag) =	ssettag s2;
	_ =	strace s9  }
0x27: {  	s1 =	sld [smem:$0x3FA5]  }
0x28: {  	s2 =	sld [smem:$0x3FA6]  }
0x29: {  	s4 =	sld [smem:$0x3FA8]  }
0x2a: {  	p0 =	seq.s32 s5, $0x0;
	s5 =	sld [smem:$0x3FA9]  }
0x2b: {  	s6 =	sld [smem:$0x3FAA]  }
0x2c: {  	s7 =	sld [smem:$0x3FAB]  }
0x2d: {  	s3 =	simm.s32 $0x108;
	s8 =	sld [smem:$0x3FAC]  }
0x2e: {  	s3 =	simm.s32 @!p0 $0x1082;
	s9 =	sld [smem:$0x3FAD]  }
0x2f: {  	lr =	sadd.s32 s0, s3;
	s0 =	sld [smem:$0x3FA4]  }
0x30: {  	s3 =	sld [smem:$0x3FA7]  }
0x31: {  	[smem:$0x3FB0] =	sst s10  }
0x32: {  	s10 =	sld [smem:$0x3FAE];
	_ =	sdelay $0x3  }
0x33: {  	p0 =	seq.s32 s10, $0x1;
	s10 =	sld [smem:$0x3FB0];
	_ =	sdelay $0x3  }
0x34: {  	[smem:$0x3FB0] =	sst s10  }
0x35: {  	s10 =	sld [smem:$0x3FAF];
	_ =	sdelay $0x3  }
0x36: {  	p1 =	seq.s32 s10, $0x1;
	s10 =	sld [smem:$0x3FB0];
	_ =	sdelay $0x3  }
0x37: {  	[smem:$0x3FB0] =	sst s10  }
0x38: {  	s10 =	sld [smem:$0x3FB1]  }
0x39: {  	_ = 	snop;
	(pc) =	sbr.ind lr, $3  }
0x3a: {  	_ = 	snop  }
0x3b: {  	_ = 	snop  }
0x3c: {  	p2 =	seq.s32 s10, $0x1;
	s10 =	sld [smem:$0x3FB0]  }
0x3d: {  	_ =	shalt  }
0x3e: {  	_ =	shalt  }
0x3f: {  	_ =	shalt  }
0x40: {  	_ =	shalt  }
0x41: {  	_ =	shalt  }
0x42: {  	_ =	shalt  }
0x43: {  	_ =	shalt  }
0x44: {  	_ =	shalt  }
0x45: {  	_ =	shalt  }
0x46: {  	_ =	shalt  }
0x47: {  	_ =	shalt  }
0x48: {  	_ =	shalt  }
0x49: {  	_ =	shalt  }
0x4a: {  	_ =	shalt  }
0x4b: {  	_ =	shalt  }
0x4c: {  	_ =	shalt  }
0x4d: {  	_ =	shalt  }
0x4e: {  	_ =	shalt  }
0x4f: {  	_ =	shalt  }
0x50: {  	_ =	shalt  }
0x51: {  	_ =	shalt  }
0x52: {  	_ =	shalt  }
0x53: {  	_ =	shalt  }
0x54: {  	_ =	shalt  }
0x55: {  	_ =	shalt  }
0x56: {  	_ =	shalt  }
0x57: {  	_ =	shalt  }
0x58: {  	_ =	shalt  }
0x59: {  	_ =	shalt  }
0x5a: {  	_ =	shalt  }
0x5b: {  	_ =	shalt  }
0x5c: {  	_ =	shalt  }
0x5d: {  	_ =	shalt  }
0x5e: {  	_ =	shalt  }
0x5f: {  	_ =	shalt  }
0x60: {  	_ =	shalt  }
0x61: {  	_ =	shalt  }
0x62: {  	_ =	shalt  }
0x63: {  	_ =	shalt  }
0x64: {  	_ =	shalt  }
0x65: {  	_ =	shalt  }
0x66: {  	_ =	shalt  }
0x67: {  	_ =	shalt  }
0x68: {  	_ =	shalt  }
0x69: {  	_ =	shalt  }
0x6a: {  	_ =	shalt  }
0x6b: {  	_ =	shalt  }
0x6c: {  	_ =	shalt  }
0x6d: {  	_ =	shalt  }
0x6e: {  	_ =	shalt  }
0x6f: {  	_ =	shalt  }
0x70: {  	_ =	shalt  }
0x71: {  	_ =	shalt  }
0x72: {  	_ =	shalt  }
0x73: {  	_ =	shalt  }
0x74: {  	_ =	shalt  }
0x75: {  	_ =	shalt  }
0x76: {  	_ =	shalt  }
0x77: {  	_ =	shalt  }
0x78: {  	_ =	shalt  }
0x79: {  	_ =	shalt  }
0x7a: {  	_ =	shalt  }
0x7b: {  	_ =	shalt  }
0x7c: {  	_ =	shalt  }
0x7d: {  	_ =	shalt  }
0x7e: {  	_ =	shalt  }
0x7f: {  	_ =	shalt  }
0x80: {  	_ =	shalt  }
0x81: {  	_ =	shalt  }
0x82: {  	_ =	shalt  }
0x83: {  	_ =	shalt  }
0x84: {  	_ =	shalt  }
0x85: {  	_ =	shalt  }
0x86: {  	_ =	shalt  }
0x87: {  	_ =	shalt  }
.Lfunc_end0:
.L_simem_size_0:
called_computation_lowered:
.L_overlay_start_0:
0x88: {  	s2 =	sld [smem:$0x3FD9]  }
0x89: {  	s3 =	sld [smem:$0x3FFE];
	_ =	sdelay $0x1  }
0x8a: {  	s1 =	srdreg.scid  }
0x8b: {  	s0 =	sand.u32 $0x1, s1  }
0x8c: {  	s14 =	sshll.u32 s0, $0xA;
	s2 =	sadd.s32 s3, s2  }
0x8d: {  	s2 =	sadd.s32 s2, s14  }
0x8e: {  	[smem:$0x3FBC] =	sst s2  }
0x8f: {  	_ = 	snop  }
0x90: {  	s2 =	sld [smem:$0x3FD0];
	_ =	sdelay $0x2  }
0x91: {  	s4 =	simm.s32 $0xB;
	s5 =	simm.s32 $0x10;
	s15 =	sld [smem:$0x3FC5]  }
0x92: {  	[smem:s5], [sflag:s4] =	dma.local [hbm:s2], $0x1  }
0x93: {  	_ =	swait.eq [sflag:s4], $0x1  }
0x94: {  	[sflag:s4] =	ssyncset.done $0x0  }
0x95: {  	[sflag:s4] =	ssyncadd.s32 $0xFFFFFFFF  }
0x96: {  	s16 =	sld [smem:$0x10];
	(tm) =	ssettm $0x1  }
0x97: {  	s17 =	sld [smem:$0x3FFB];
	_ =	sdelay $0x3  }
0x98: {  	_ =	strace s17  }
0x99: {  	s4 =	sld [smem:$0x3FFC];
	_ =	sdelay $0x3  }
0x9a: {  	_ =	strace s4  }
0x9b: {  	s4 =	sld [smem:$0x3FFD];
	_ =	sdelay $0x3  }
0x9c: {  	_ =	strace s4  }
0x9d: {  	_ =	strace $0x8FFFFFFF  }
0x9e: {  	s18 =	sld [smem:$0x3FDB];
	_ =	sdelay $0x1  }
0x9f: {  	s19 =	simm.s32 $_scs_section_size  }
0xa0: {  	s6 =	simm.s32 $_size__tile_overlayer_lowered;
	s7 =	simm.s32 $_tile_overlayer_lowered  }
0xa1: {  	s22 =	simm.s32 $0x1BFF;
	s21 =	sshll.u32 s7, $0x1;
	s4 =	sadd.s32 s19, s18  }
0xa2: {  	s8 =	simm.s32 $0x0;
	s20 =	sshll.u32 s6, $0x1;
	s6 =	sadd.s32 s21, s4  }
0xa3: {  	[timem:s8], [sflag:s22] =	dma.local [hbm:s6], s20  }
0xa4: {  	_ =	swait.ge [sflag:s22], s20  }
0xa5: {  	s5 =	ssub.s32 $0x0, s20;
	[sflag:s22] =	ssyncset.done $0x0  }
0xa6: {  	[sflag:s22] =	ssyncadd.s32 s5;
	_ =	sdelay $0x1  }
0xa7: {  	s23 =	simm.s32 $0x1B8B  }
0xa8: {  	_ =	swait.ge [sflag:s23], $0x1  }
0xa9: {  	[sflag:s23] =	ssyncset.done $0x0  }
0xaa: {  	s25 =	simm.s32 $0x1B8E;
	s24 =	sld [smem:$0x3FFE];
	[sflag:s23] =	ssyncadd.s32 $0xFFFFFFFF  }
0xab: {  	s26 =	simm.s32 $execute0_lowered;
	[smem:$0x3FD2] =	sst s25  }
0xac: {  	s6 =	sshll.u32 s26, $0x1;
	_ =	strace $0x80000046;
	[dreg:$0x1] =	wrdreg $0xFFFFFFFF  }
0xad: {  	s28 =	simm.s32 $_size_execute0_lowered;
	s4 =	sadd.s32 s4, s6;
	[dreg:$0x0] =	wrdreg $0x0  }
0xae: {  	s6 =	sshll.u32 s28, $0x1;
	[dreg:$0x2] =	wrdreg s4  }
0xaf: {  	[dreg:$0x3] =	wrdreg s6  }
0xb0: {  	[dreg:$0x4] =	wrdreg $0xC0  }
0xb1: {  	_ =	task [dreg:s8], $0x5FFFF  }
0xb2: {  	[dreg:$0x1] =	wrdreg $0xFFFFFFFF  }
0xb3: {  	[dreg:$0x0] =	wrdreg $0x60  }
0xb4: {  	[dreg:$0x2] =	wrdreg s15  }
0xb5: {  	[dreg:$0x3] =	wrdreg s16  }
0xb6: {  	[dreg:$0x4] =	wrdreg s24  }
0xb7: {  	[dreg:$0x5] =	wrdreg $0x9  }
0xb8: {  	_ =	task.clear_ibuf [dreg:s8], $0x6FFFF;
	_ =	strace $0x90000046  }
0xb9: {  	s29 =	simm.s32 $0x9;
	_ =	strace $0x80000048  }
0xba: {  	_ =	swait.ge [sflag:s29], $0x1  }
0xbb: {  	[sflag:s29] =	ssyncadd.s32 $0xFFFFFFFF  }
0xbc: {  	_ =	strace $0x90000048  }
0xbd: {  	_ =	sfence  }
0xbe: {  	s30 =	sld [smem:$0x0];
	_ =	sdelay $0x2  }
0xbf: {  	s31 =	sshll.u32 s1, $0xD;
	s1 =	sshrl.u32 s1, $0x2  }
0xc0: {  	s3 =	sand.u32 $0x4000, s31;
	s1 =	sadd.s32 s1, s30  }
0xc1: {  	s0 =	sor.u32 s3, s0;
	s1 =	sshll.u32 s1, $0x11  }
0xc2: {  	s0 =	sor.u32 s1, s0  }
0xc3: {  	s0 =	sadd.s32 $0x8F2B, s0  }
0xc4: {  	[sflag:s0] =	ssyncadd.remote.s32 $0x1  }
0xc5: {  	_ =	sfence.sel $0xFFFF  }
0xc6: {  	[dreg:$0x0] =	wrdreg $0xFFFFFFFF;
	(pc) =	sbr.abs _section_cstart, $3  }
0xc7: {  	[dreg:$0x1] =	wrdreg $0xFFFFFFFF  }
0xc8: {  	_ =	task.clear_ibuf [dreg:s8], $0x2FFFF;
	_ =	strace $0x9FFFFFFF  }
0xc9: {  	(tm) =	ssettm $0x7FFFFFFF  }
tec
execute0_lowered:
.L_overlay_start_1:
0x0: {  	(tag) =	ssettag $0x1  }
0x1: {  	s1 =	rddreg [dreg:$0x0]  }
0x2: {  	s0 =	srdreg.scid;
	s2 =	rddreg [dreg:$0x1]  }
0x3: {  	s8 =	stileid.u32;
	s4 =	rddreg [dreg:$0x2]  }
0x4: {  	s3 =	simm.s32 $0x0;
	s9 =	simm.s32 $0x3;
	s10 =	simm.s32 $0x1100  }
0x5: {  	s16 =	simm.s32 $0xD900;
	s17 =	simm.s32 $0x10900;
	s18 =	simm.s32 $0x11100  }
0x6: {  	s19 =	simm.s32 $0x11900;
	s20 =	simm.s32 $0x12100;
	s21 =	simm.s32 $0x12900  }
0x7: {  	s22 =	simm.s32 $0x13100;
	s23 =	simm.s32 $0x13900;
	s24 =	simm.s32 $0x14100  }
0x8: {  	s28 =	simm.s32 $0x15900;
	s29 =	simm.s32 $0x16100;
	s30 =	simm.s32 $0x16900  }
0x9: {  	s31 =	simm.s32 $0x17100;
	s11 =	simm.s32 $0x1;
	s12 =	simm.s32 $0x2  }
0xa: {  	s14 =	simm.s32 $0x0;
	s0 =	sand.u32 $0x1, s0;
	s5 =	sshll.u32 s8, $0xC  }
0xb: {  	[smem:$0x7FF] =	sst s3;
	s8 =	sshll.u32 s8, $0xA;
	s6 =	sshll.u32 s0, $0xB  }
0xc: {  	_ =	strace $0x80000047;
	s25 =	ssub.s32 $0x2, s0;
	s0 =	sshll.u32 s0, $0x9  }
0xd: {  	s5 =	sor.u32 s6, s5;
	s7 =	sshrl.u32 s25, $0x1;
	s0 =	sor.u32 s0, s8  }
0xe: {  	s6 =	sadd.s32 $0x200, s1;
	s5 =	sshrl.u32 s5, $0x3;
	s7 =	ssub.s32 s25, s7  }
.Ltmp0:
0xf: {  	s0 =	sadd.s32 s2, s0;
	s25 =	simm.s32 $0x14900;
	(pc) =	sbr.rel .LBB2_1-.Ltmp0, $4  }
0x10: {  	s2 =	simm.s32 $0x17900;
	s5 =	smul.u32 $0x300, s5;
	[dreg:$0x4] =	wrdreg s0  }
0x11: {  	v2 =	vlaneseq.u32;
	s26 =	smax.u32 s7, $0x1;
	s7 =	simm.s32 $0xD100;
	s0 =	simm.s32 $0x18100  }
0x12: {  	vm0 =	vmmov $0xffff;
	v1 =	vshrl.u32 v2, $0x3;
	[dreg:$0x5] =	wrdreg s26;
	s26 =	simm.s32 $0x15100;
	s4 =	sadd.s32 s5, s4  }
0x13: {  	v0 =	vand.u32 $0x7, v2;
	v2 =	vor.u32 $0x8, v2;
	v1 =	vmul.u32 $0x8, v1;
	s5 =	sadd.s32 $0x100, s1;
	s8 =	sadd.s32 $0x1200, s4;
	s4 =	simm.s32 $0x18900  }
.LBB2_6:
0x14: {  	s14 =	rddreg [dreg:$0x6]  }
0x15: {  	s13 =	rddreg [dreg:$0x5];
	s14 =	sadd.s32 $0x1, s14  }
0x16: {  	p0 =	sne.s32 s14, s13  }
.Ltmp1:
0x17: {  	_ = 	snop;
	(pc) =	sbr.rel @!p0 .LBB2_7-.Ltmp1, $1  }
0x18: {  	_ =	sdelay $0x3  }
.LBB2_1:
0x19: {  	[dreg:$0x6] =	wrdreg s14  }
0x1a: {  	s13 =	rddreg [dreg:$0x4]  }
0x1b: {  	[tilespmem:s3], [sflag:$0x3] =	stream.linear.gather [hbm4b:s13+s3], $0x1000, $0x38;
	[tilespmem:$0x19100] =	vst v63  }
0x1c: {  	_ =	swait.ge [sflag:s9], $0x1000  }
0x1d: {  	[sflag:s9] =	ssyncset.done $0x0  }
0x1e: {  	[sflag:s9] =	ssyncadd.s32 $0xFFFFF000  }
0x1f: {  	v3 =	vld [tilespmem:$0x0];
	_ =	sdelay $0x4  }
0x20: {  	v4 =	vshrl.u32 v3, $0x3  }
0x21: {  	v4 =	vmul.u32 $0x30, v4  }
0x22: {  	v5 =	vand.u32 $0x7, v3  }
0x23: {  	v6 =	vld [tilespmem:$0x10];
	v4 =	vor.u32 v5, v4  }
0x24: {  	v51 =	vld [tilespmem:$0x20];
	v7 =	vperm.xlane v4, v0  }
0x25: {  	v8 =	vld [tilespmem:$0x30]  }
0x26: {  	v7 =	vadd.s32 v1, v7  }
0x27: {  	[tilespmem:$0x1000] =	vst v3  }
0x28: {  	[tilespmem:$0x1010] =	vst v6  }
0x29: {  	[tilespmem:$0x1020] =	vst v51  }
0x2a: {  	[tilespmem:$0x1030] =	vst v8;
	v3 =	vperm.xlane v4, v2  }
0x2b: {  	[tilespmem:s10], [sflag:$0x1] =	stream.indirect_vreg.gather [hbm4b:s1+s3], $0x80, v7, vm0, $0xb8;
	[tilespmem:$0x19100] =	vst v63  }
0x2c: {  	s14 =	simm.s32 $0x1900;
	v3 =	vadd.s32 v1, v3  }
0x2d: {  	[tilespmem:s14], [sflag:$0x1] =	stream.indirect_vreg.gather [hbm4b:s5+s3], $0x80, v7, vm0, $0xb8;
	[tilespmem:$0x19100] =	vst v63  }
0x2e: {  	s15 =	simm.s32 $0x2100  }
0x2f: {  	[tilespmem:s15], [sflag:$0x1] =	stream.indirect_vreg.gather [hbm4b:s6+s3], $0x80, v7, vm0, $0xb8;
	[tilespmem:$0x19100] =	vst v63  }
0x30: {  	s14 =	simm.s32 $0x2900  }
0x31: {  	[tilespmem:s14], [sflag:$0x1] =	stream.indirect_vreg.gather [hbm4b:s1+s3], $0x80, v3, vm0, $0xb8;
	[tilespmem:$0x19100] =	vst v63  }
0x32: {  	s15 =	simm.s32 $0x3100  }
0x33: {  	[tilespmem:s15], [sflag:$0x1] =	stream.indirect_vreg.gather [hbm4b:s5+s3], $0x80, v3, vm0, $0xb8;
	[tilespmem:$0x19100] =	vst v63  }
0x34: {  	s14 =	simm.s32 $0x3900  }
0x35: {  	[tilespmem:s14], [sflag:$0x1] =	stream.indirect_vreg.gather [hbm4b:s6+s3], $0x80, v3, vm0, $0xb8;
	[tilespmem:$0x19100] =	vst v63  }
0x36: {  	v3 =	vld [tilespmem:$0x1010];
	_ =	sdelay $0x4  }
0x37: {  	v52 =	vshrl.u32 v3, $0x3  }
0x38: {  	v4 =	vmul.u32 $0x30, v52  }
0x39: {  	v3 =	vand.u32 $0x7, v3  }
0x3a: {  	v3 =	vor.u32 v3, v4  }
0x3b: {  	v4 =	vperm.xlane v3, v0;
	_ =	sdelay $0x1  }
0x3c: {  	v4 =	vadd.s32 v1, v4;
	_ =	sdelay $0x3  }
0x3d: {  	s15 =	simm.s32 $0x4100;
	v3 =	vperm.xlane v3, v2  }
0x3e: {  	[tilespmem:s15], [sflag:$0x1] =	stream.indirect_vreg.gather [hbm4b:s1+s3], $0x80, v4, vm0, $0xb8;
	[tilespmem:$0x19100] =	vst v63  }
0x3f: {  	s14 =	simm.s32 $0x4900;
	v3 =	vadd.s32 v1, v3  }
0x40: {  	[tilespmem:s14], [sflag:$0x1] =	stream.indirect_vreg.gather [hbm4b:s5+s3], $0x80, v4, vm0, $0xb8;
	[tilespmem:$0x19100] =	vst v63  }
0x41: {  	s15 =	simm.s32 $0x5100  }
0x42: {  	[tilespmem:s15], [sflag:$0x1] =	stream.indirect_vreg.gather [hbm4b:s6+s3], $0x80, v4, vm0, $0xb8;
	[tilespmem:$0x19100] =	vst v63  }
0x43: {  	s14 =	simm.s32 $0x5900  }
0x44: {  	[tilespmem:s14], [sflag:$0x1] =	stream.indirect_vreg.gather [hbm4b:s1+s3], $0x80, v3, vm0, $0xb8;
	[tilespmem:$0x19100] =	vst v63  }
0x45: {  	s15 =	simm.s32 $0x6100  }
0x46: {  	[tilespmem:s15], [sflag:$0x1] =	stream.indirect_vreg.gather [hbm4b:s5+s3], $0x80, v3, vm0, $0xb8;
	[tilespmem:$0x19100] =	vst v63  }
0x47: {  	s14 =	simm.s32 $0x6900  }
0x48: {  	[tilespmem:s14], [sflag:$0x1] =	stream.indirect_vreg.gather [hbm4b:s6+s3], $0x80, v3, vm0, $0xb8;
	[tilespmem:$0x19100] =	vst v63  }
0x49: {  	v3 =	vld [tilespmem:$0x1020];
	_ =	sdelay $0x4  }
0x4a: {  	v53 =	vshrl.u32 v3, $0x3  }
0x4b: {  	v4 =	vmul.u32 $0x30, v53  }
0x4c: {  	v3 =	vand.u32 $0x7, v3  }
0x4d: {  	v3 =	vor.u32 v3, v4  }
0x4e: {  	v4 =	vperm.xlane v3, v0;
	_ =	sdelay $0x1  }
0x4f: {  	v4 =	vadd.s32 v1, v4;
	_ =	sdelay $0x3  }
0x50: {  	s15 =	simm.s32 $0x7100;
	v3 =	vperm.xlane v3, v2  }
0x51: {  	[tilespmem:s15], [sflag:$0x1] =	stream.indirect_vreg.gather [hbm4b:s1+s3], $0x80, v4, vm0, $0xb8;
	[tilespmem:$0x19100] =	vst v63  }
0x52: {  	s14 =	simm.s32 $0x7900;
	v3 =	vadd.s32 v1, v3  }
0x53: {  	[tilespmem:s14], [sflag:$0x1] =	stream.indirect_vreg.gather [hbm4b:s5+s3], $0x80, v4, vm0, $0xb8;
	[tilespmem:$0x19100] =	vst v63  }
0x54: {  	s15 =	simm.s32 $0x8100  }
0x55: {  	[tilespmem:s15], [sflag:$0x1] =	stream.indirect_vreg.gather [hbm4b:s6+s3], $0x80, v4, vm0, $0xb8;
	[tilespmem:$0x19100] =	vst v63  }
0x56: {  	s14 =	simm.s32 $0x8900  }
0x57: {  	[tilespmem:s14], [sflag:$0x1] =	stream.indirect_vreg.gather [hbm4b:s1+s3], $0x80, v3, vm0, $0xb8;
	[tilespmem:$0x19100] =	vst v63  }
0x58: {  	s15 =	simm.s32 $0x9100  }
0x59: {  	[tilespmem:s15], [sflag:$0x1] =	stream.indirect_vreg.gather [hbm4b:s5+s3], $0x80, v3, vm0, $0xb8;
	[tilespmem:$0x19100] =	vst v63  }
0x5a: {  	s14 =	simm.s32 $0x9900  }
0x5b: {  	[tilespmem:s14], [sflag:$0x1] =	stream.indirect_vreg.gather [hbm4b:s6+s3], $0x80, v3, vm0, $0xb8;
	[tilespmem:$0x19100] =	vst v63  }
0x5c: {  	v3 =	vld [tilespmem:$0x1030];
	_ =	sdelay $0x4  }
0x5d: {  	v54 =	vshrl.u32 v3, $0x3  }
0x5e: {  	v4 =	vmul.u32 $0x30, v54  }
0x5f: {  	v3 =	vand.u32 $0x7, v3  }
0x60: {  	v3 =	vor.u32 v3, v4  }
0x61: {  	v4 =	vperm.xlane v3, v0;
	_ =	sdelay $0x1  }
0x62: {  	v4 =	vadd.s32 v1, v4;
	_ =	sdelay $0x3  }
0x63: {  	s15 =	simm.s32 $0xA100;
	v3 =	vperm.xlane v3, v2  }
0x64: {  	[tilespmem:s15], [sflag:$0x1] =	stream.indirect_vreg.gather [hbm4b:s1+s3], $0x80, v4, vm0, $0xb8;
	[tilespmem:$0x19100] =	vst v63  }
0x65: {  	s14 =	simm.s32 $0xA900;
	v3 =	vadd.s32 v1, v3  }
0x66: {  	[tilespmem:s14], [sflag:$0x1] =	stream.indirect_vreg.gather [hbm4b:s5+s3], $0x80, v4, vm0, $0xb8;
	[tilespmem:$0x19100] =	vst v63  }
0x67: {  	s15 =	simm.s32 $0xB100  }
0x68: {  	[tilespmem:s15], [sflag:$0x1] =	stream.indirect_vreg.gather [hbm4b:s6+s3], $0x80, v4, vm0, $0xb8;
	[tilespmem:$0x19100] =	vst v63  }
0x69: {  	s14 =	simm.s32 $0xB900  }
0x6a: {  	[tilespmem:s14], [sflag:$0x1] =	stream.indirect_vreg.gather [hbm4b:s1+s3], $0x80, v3, vm0, $0xb8;
	[tilespmem:$0x19100] =	vst v63  }
0x6b: {  	s15 =	simm.s32 $0xC100  }
0x6c: {  	[tilespmem:s15], [sflag:$0x1] =	stream.indirect_vreg.gather [hbm4b:s5+s3], $0x80, v3, vm0, $0xb8;
	[tilespmem:$0x19100] =	vst v63  }
0x6d: {  	s14 =	simm.s32 $0xC900  }
0x6e: {  	[tilespmem:s14], [sflag:$0x1] =	stream.indirect_vreg.gather [hbm4b:s6+s3], $0x80, v3, vm0, $0xb8;
	[tilespmem:$0x19100] =	vst v63  }
0x6f: {  	v3 =	vld [tilespmem:$0x80];
	_ =	sdelay $0x4  }
0x70: {  	v55 =	vshrl.u32 v3, $0x3  }
0x71: {  	v4 =	vmul.u32 $0x30, v55  }
0x72: {  	v56 =	vand.u32 $0x7, v3  }
0x73: {  	v57 =	vld [tilespmem:$0x90];
	v4 =	vor.u32 v56, v4  }
0x74: {  	v58 =	vld [tilespmem:$0xA0];
	v59 =	vperm.xlane v4, v0  }
0x75: {  	v60 =	vld [tilespmem:$0xB0]  }
0x76: {  	v7 =	vadd.s32 v1, v59  }
0x77: {  	[tilespmem:$0x1080] =	vst v3  }
0x78: {  	[tilespmem:$0x1090] =	vst v57  }
0x79: {  	[tilespmem:$0x10A0] =	vst v58  }
0x7a: {  	[tilespmem:$0x10B0] =	vst v60;
	v3 =	vperm.xlane v4, v2  }
0x7b: {  	[tilespmem:s7], [sflag:$0x2] =	stream.indirect_vreg.gather [hbm4b:s1+s3], $0x80, v7, vm0, $0xb8;
	[tilespmem:$0x19100] =	vst v63  }
0x7c: {  	v3 =	vadd.s32 v1, v3  }
0x7d: {  	[tilespmem:s16], [sflag:$0x2] =	stream.indirect_vreg.gather [hbm4b:s5+s3], $0x80, v7, vm0, $0xb8;
	[tilespmem:$0x19100] =	vst v63  }
0x7e: {  	s15 =	simm.s32 $0xE100  }
0x7f: {  	[tilespmem:s15], [sflag:$0x2] =	stream.indirect_vreg.gather [hbm4b:s6+s3], $0x80, v7, vm0, $0xb8;
	[tilespmem:$0x19100] =	vst v63  }
0x80: {  	s14 =	simm.s32 $0xE900  }
0x81: {  	[tilespmem:s14], [sflag:$0x2] =	stream.indirect_vreg.gather [hbm4b:s1+s3], $0x80, v3, vm0, $0xb8;
	[tilespmem:$0x19100] =	vst v63  }
0x82: {  	s15 =	simm.s32 $0xF100  }
0x83: {  	[tilespmem:s15], [sflag:$0x2] =	stream.indirect_vreg.gather [hbm4b:s5+s3], $0x80, v3, vm0, $0xb8;
	[tilespmem:$0x19100] =	vst v63  }
0x84: {  	s14 =	simm.s32 $0xF900  }
0x85: {  	[tilespmem:s14], [sflag:$0x2] =	stream.indirect_vreg.gather [hbm4b:s6+s3], $0x80, v3, vm0, $0xb8;
	[tilespmem:$0x19100] =	vst v63  }
0x86: {  	v3 =	vld [tilespmem:$0x1090];
	_ =	sdelay $0x4  }
0x87: {  	v61 =	vshrl.u32 v3, $0x3  }
0x88: {  	v4 =	vmul.u32 $0x30, v61  }
0x89: {  	v3 =	vand.u32 $0x7, v3  }
0x8a: {  	v3 =	vor.u32 v3, v4  }
0x8b: {  	v4 =	vperm.xlane v3, v0;
	_ =	sdelay $0x1  }
0x8c: {  	v4 =	vadd.s32 v1, v4;
	_ =	sdelay $0x3  }
0x8d: {  	s15 =	simm.s32 $0x10100;
	v3 =	vperm.xlane v3, v2  }
0x8e: {  	[tilespmem:s15], [sflag:$0x2] =	stream.indirect_vreg.gather [hbm4b:s1+s3], $0x80, v4, vm0, $0xb8;
	[tilespmem:$0x19100] =	vst v63  }
0x8f: {  	v3 =	vadd.s32 v1, v3  }
0x90: {  	[tilespmem:s17], [sflag:$0x2] =	stream.indirect_vreg.gather [hbm4b:s5+s3], $0x80, v4, vm0, $0xb8;
	[tilespmem:$0x19100] =	vst v63  }
0x91: {  	_ = 	snop  }
0x92: {  	[tilespmem:s18], [sflag:$0x2] =	stream.indirect_vreg.gather [hbm4b:s6+s3], $0x80, v4, vm0, $0xb8;
	[tilespmem:$0x19100] =	vst v63  }
0x93: {  	_ = 	snop  }
0x94: {  	[tilespmem:s19], [sflag:$0x2] =	stream.indirect_vreg.gather [hbm4b:s1+s3], $0x80, v3, vm0, $0xb8;
	[tilespmem:$0x19100] =	vst v63  }
0x95: {  	_ = 	snop  }
0x96: {  	[tilespmem:s20], [sflag:$0x2] =	stream.indirect_vreg.gather [hbm4b:s5+s3], $0x80, v3, vm0, $0xb8;
	[tilespmem:$0x19100] =	vst v63  }
0x97: {  	_ = 	snop  }
0x98: {  	[tilespmem:s21], [sflag:$0x2] =	stream.indirect_vreg.gather [hbm4b:s6+s3], $0x80, v3, vm0, $0xb8;
	[tilespmem:$0x19100] =	vst v63  }
0x99: {  	v3 =	vld [tilespmem:$0x10A0];
	_ =	sdelay $0x4  }
0x9a: {  	v62 =	vshrl.u32 v3, $0x3  }
0x9b: {  	v4 =	vmul.u32 $0x30, v62  }
0x9c: {  	v3 =	vand.u32 $0x7, v3  }
0x9d: {  	v3 =	vor.u32 v3, v4  }
0x9e: {  	v4 =	vperm.xlane v3, v0;
	_ =	sdelay $0x1  }
0x9f: {  	v4 =	vadd.s32 v1, v4;
	_ =	sdelay $0x3  }
0xa0: {  	v3 =	vperm.xlane v3, v2  }
0xa1: {  	[tilespmem:s22], [sflag:$0x2] =	stream.indirect_vreg.gather [hbm4b:s1+s3], $0x80, v4, vm0, $0xb8;
	[tilespmem:$0x19100] =	vst v63  }
0xa2: {  	v3 =	vadd.s32 v1, v3  }
0xa3: {  	[tilespmem:s23], [sflag:$0x2] =	stream.indirect_vreg.gather [hbm4b:s5+s3], $0x80, v4, vm0, $0xb8;
	[tilespmem:$0x19100] =	vst v63  }
0xa4: {  	_ = 	snop  }
0xa5: {  	[tilespmem:s24], [sflag:$0x2] =	stream.indirect_vreg.gather [hbm4b:s6+s3], $0x80, v4, vm0, $0xb8;
	[tilespmem:$0x19100] =	vst v63  }
0xa6: {  	_ = 	snop  }
0xa7: {  	[tilespmem:s25], [sflag:$0x2] =	stream.indirect_vreg.gather [hbm4b:s1+s3], $0x80, v3, vm0, $0xb8;
	[tilespmem:$0x19100] =	vst v63  }
0xa8: {  	_ = 	snop  }
0xa9: {  	[tilespmem:s26], [sflag:$0x2] =	stream.indirect_vreg.gather [hbm4b:s5+s3], $0x80, v3, vm0, $0xb8;
	[tilespmem:$0x19100] =	vst v63  }
0xaa: {  	_ = 	snop  }
0xab: {  	[tilespmem:s28], [sflag:$0x2] =	stream.indirect_vreg.gather [hbm4b:s6+s3], $0x80, v3, vm0, $0xb8;
	[tilespmem:$0x19100] =	vst v63  }
0xac: {  	v3 =	vld [tilespmem:$0x10B0];
	_ =	sdelay $0x4  }
0xad: {  	v63 =	vshrl.u32 v3, $0x3  }
0xae: {  	v4 =	vmul.u32 $0x30, v63  }
0xaf: {  	v3 =	vand.u32 $0x7, v3  }
0xb0: {  	v3 =	vor.u32 v3, v4  }
0xb1: {  	v4 =	vperm.xlane v3, v0;
	_ =	sdelay $0x1  }
0xb2: {  	v4 =	vadd.s32 v1, v4;
	_ =	sdelay $0x3  }
0xb3: {  	v3 =	vperm.xlane v3, v2  }
0xb4: {  	[tilespmem:s29], [sflag:$0x2] =	stream.indirect_vreg.gather [hbm4b:s1+s3], $0x80, v4, vm0, $0xb8;
	[tilespmem:$0x19100] =	vst v63  }
0xb5: {  	v3 =	vadd.s32 v1, v3  }
0xb6: {  	[tilespmem:s30], [sflag:$0x2] =	stream.indirect_vreg.gather [hbm4b:s5+s3], $0x80, v4, vm0, $0xb8;
	[tilespmem:$0x19100] =	vst v63  }
0xb7: {  	_ = 	snop  }
0xb8: {  	[tilespmem:s31], [sflag:$0x2] =	stream.indirect_vreg.gather [hbm4b:s6+s3], $0x80, v4, vm0, $0xb8;
	[tilespmem:$0x19100] =	vst v63  }
0xb9: {  	_ = 	snop  }
0xba: {  	[tilespmem:s2], [sflag:$0x2] =	stream.indirect_vreg.gather [hbm4b:s1+s3], $0x80, v3, vm0, $0xb8;
	[tilespmem:$0x19100] =	vst v63  }
0xbb: {  	_ = 	snop  }
0xbc: {  	[tilespmem:s0], [sflag:$0x2] =	stream.indirect_vreg.gather [hbm4b:s5+s3], $0x80, v3, vm0, $0xb8;
	[tilespmem:$0x19100] =	vst v63  }
0xbd: {  	s13 =	simm.s32 $0x1B0;
	s14 =	simm.s32 $0x0  }
0xbe: {  	[tilespmem:s4], [sflag:$0x2] =	stream.indirect_vreg.gather [hbm4b:s6+s3], $0x80, v3, vm0, $0xb8;
	[tilespmem:$0x19100] =	vst v63  }
.LBB2_2:
0xbf: {  	_ =	swait.ge [sflag:s11], $0xC000  }
0xc0: {  	p0 =	seq.s32 s14, $0x2D000;
	[sflag:s11] =	ssyncset.done $0x0  }
.Ltmp2:
0xc1: {  	s15 =	sadd.s32 s14, s8;
	[sflag:s11] =	ssyncadd.s32 $0xFFFF4000;
	(pc) =	sbr.rel @p0 .LBB2_4-.Ltmp2, $4  }
0xc2: {  	[hbm4b:s15+s3] =	stream.linear.scatter [tilespmem:s10], [sflag:$0x3], $0xC000, $0x38;
	[tilespmem:$0x19100] =	vst v63  }
0xc3: {  	_ =	swait.ge [sflag:s9], $0xC000  }
0xc4: {  	[sflag:s9] =	ssyncset.done $0x0  }
0xc5: {  	[sflag:s9] =	ssyncadd.s32 $0xFFFF4000  }
0xc6: {  	v3 =	vld [tilespmem:s13+$0xFFFFFF50];
	_ =	sdelay $0x4  }
0xc7: {  	[tilespmem:$0x1000] =	vst v3  }
0xc8: {  	v4 =	vld [tilespmem:s13+$0xFFFFFF60];
	_ =	sdelay $0x4  }
0xc9: {  	[tilespmem:$0x1010] =	vst v4  }
0xca: {  	v4 =	vld [tilespmem:s13+$0xFFFFFF70]  }
0xcb: {  	v5 =	vshrl.u32 v3, $0x3  }
0xcc: {  	v5 =	vmul.u32 $0x30, v5  }
0xcd: {  	v3 =	vand.u32 $0x7, v3  }
0xce: {  	v3 =	vor.u32 v3, v5  }
0xcf: {  	v59 =	vperm.xlane v3, v0;
	[tilespmem:$0x1020] =	vst v4  }
0xd0: {  	v60 =	vld [tilespmem:s13+$0xFFFFFF80]  }
0xd1: {  	v4 =	vadd.s32 v1, v59;
	_ =	sdelay $0x3  }
0xd2: {  	v3 =	vperm.xlane v3, v2;
	[tilespmem:$0x1030] =	vst v60  }
0xd3: {  	[tilespmem:s10], [sflag:$0x1] =	stream.indirect_vreg.gather [hbm4b:s1+s3], $0x80, v4, vm0, $0xb8;
	[tilespmem:$0x19100] =	vst v63  }
0xd4: {  	s16 =	simm.s32 $0x1900;
	v3 =	vadd.s32 v1, v3  }
0xd5: {  	[tilespmem:s16], [sflag:$0x1] =	stream.indirect_vreg.gather [hbm4b:s5+s3], $0x80, v4, vm0, $0xb8;
	[tilespmem:$0x19100] =	vst v63  }
0xd6: {  	s16 =	simm.s32 $0x2100  }
0xd7: {  	[tilespmem:s16], [sflag:$0x1] =	stream.indirect_vreg.gather [hbm4b:s6+s3], $0x80, v4, vm0, $0xb8;
	[tilespmem:$0x19100] =	vst v63  }
0xd8: {  	s16 =	simm.s32 $0x2900  }
0xd9: {  	[tilespmem:s16], [sflag:$0x1] =	stream.indirect_vreg.gather [hbm4b:s1+s3], $0x80, v3, vm0, $0xb8;
	[tilespmem:$0x19100] =	vst v63  }
0xda: {  	s16 =	simm.s32 $0x3100  }
0xdb: {  	[tilespmem:s16], [sflag:$0x1] =	stream.indirect_vreg.gather [hbm4b:s5+s3], $0x80, v3, vm0, $0xb8;
	[tilespmem:$0x19100] =	vst v63  }
0xdc: {  	s16 =	simm.s32 $0x3900  }
0xdd: {  	[tilespmem:s16], [sflag:$0x1] =	stream.indirect_vreg.gather [hbm4b:s6+s3], $0x80, v3, vm0, $0xb8;
	[tilespmem:$0x19100] =	vst v63  }
0xde: {  	v3 =	vld [tilespmem:$0x1010];
	_ =	sdelay $0x4  }
0xdf: {  	v61 =	vshrl.u32 v3, $0x3  }
0xe0: {  	v4 =	vmul.u32 $0x30, v61  }
0xe1: {  	v3 =	vand.u32 $0x7, v3  }
0xe2: {  	v3 =	vor.u32 v3, v4  }
0xe3: {  	v4 =	vperm.xlane v3, v0;
	_ =	sdelay $0x1  }
0xe4: {  	v4 =	vadd.s32 v1, v4;
	_ =	sdelay $0x3  }
0xe5: {  	s16 =	simm.s32 $0x4100;
	v3 =	vperm.xlane v3, v2  }
0xe6: {  	[tilespmem:s16], [sflag:$0x1] =	stream.indirect_vreg.gather [hbm4b:s1+s3], $0x80, v4, vm0, $0xb8;
	[tilespmem:$0x19100] =	vst v63  }
0xe7: {  	v3 =	vadd.s32 v1, v3;
	s16 =	simm.s32 $0x4900  }
0xe8: {  	[tilespmem:s16], [sflag:$0x1] =	stream.indirect_vreg.gather [hbm4b:s5+s3], $0x80, v4, vm0, $0xb8;
	[tilespmem:$0x19100] =	vst v63  }
0xe9: {  	s16 =	simm.s32 $0x5100  }
0xea: {  	[tilespmem:s16], [sflag:$0x1] =	stream.indirect_vreg.gather [hbm4b:s6+s3], $0x80, v4, vm0, $0xb8;
	[tilespmem:$0x19100] =	vst v63  }
0xeb: {  	s16 =	simm.s32 $0x5900  }
0xec: {  	[tilespmem:s16], [sflag:$0x1] =	stream.indirect_vreg.gather [hbm4b:s1+s3], $0x80, v3, vm0, $0xb8;
	[tilespmem:$0x19100] =	vst v63  }
0xed: {  	s16 =	simm.s32 $0x6100  }
0xee: {  	[tilespmem:s16], [sflag:$0x1] =	stream.indirect_vreg.gather [hbm4b:s5+s3], $0x80, v3, vm0, $0xb8;
	[tilespmem:$0x19100] =	vst v63  }
0xef: {  	s16 =	simm.s32 $0x6900  }
0xf0: {  	[tilespmem:s16], [sflag:$0x1] =	stream.indirect_vreg.gather [hbm4b:s6+s3], $0x80, v3, vm0, $0xb8;
	[tilespmem:$0x19100] =	vst v63  }
0xf1: {  	v3 =	vld [tilespmem:$0x1020];
	_ =	sdelay $0x4  }
0xf2: {  	v62 =	vshrl.u32 v3, $0x3  }
0xf3: {  	v4 =	vmul.u32 $0x30, v62  }
0xf4: {  	v3 =	vand.u32 $0x7, v3  }
0xf5: {  	v3 =	vor.u32 v3, v4  }
0xf6: {  	v4 =	vperm.xlane v3, v0;
	_ =	sdelay $0x1  }
0xf7: {  	v4 =	vadd.s32 v1, v4;
	_ =	sdelay $0x3  }
0xf8: {  	s16 =	simm.s32 $0x7100;
	v3 =	vperm.xlane v3, v2  }
0xf9: {  	[tilespmem:s16], [sflag:$0x1] =	stream.indirect_vreg.gather [hbm4b:s1+s3], $0x80, v4, vm0, $0xb8;
	[tilespmem:$0x19100] =	vst v63  }
0xfa: {  	v3 =	vadd.s32 v1, v3;
	s16 =	simm.s32 $0x7900  }
0xfb: {  	[tilespmem:s16], [sflag:$0x1] =	stream.indirect_vreg.gather [hbm4b:s5+s3], $0x80, v4, vm0, $0xb8;
	[tilespmem:$0x19100] =	vst v63  }
0xfc: {  	s16 =	simm.s32 $0x8100  }
0xfd: {  	[tilespmem:s16], [sflag:$0x1] =	stream.indirect_vreg.gather [hbm4b:s6+s3], $0x80, v4, vm0, $0xb8;
	[tilespmem:$0x19100] =	vst v63  }
0xfe: {  	s16 =	simm.s32 $0x8900  }
0xff: {  	[tilespmem:s16], [sflag:$0x1] =	stream.indirect_vreg.gather [hbm4b:s1+s3], $0x80, v3, vm0, $0xb8;
	[tilespmem:$0x19100] =	vst v63  }
0x100: {  	s16 =	simm.s32 $0x9100  }
0x101: {  	[tilespmem:s16], [sflag:$0x1] =	stream.indirect_vreg.gather [hbm4b:s5+s3], $0x80, v3, vm0, $0xb8;
	[tilespmem:$0x19100] =	vst v63  }
0x102: {  	s16 =	simm.s32 $0x9900  }
0x103: {  	[tilespmem:s16], [sflag:$0x1] =	stream.indirect_vreg.gather [hbm4b:s6+s3], $0x80, v3, vm0, $0xb8;
	[tilespmem:$0x19100] =	vst v63  }
0x104: {  	v3 =	vld [tilespmem:$0x1030];
	_ =	sdelay $0x4  }
0x105: {  	v63 =	vshrl.u32 v3, $0x3  }
0x106: {  	v4 =	vmul.u32 $0x30, v63  }
0x107: {  	v3 =	vand.u32 $0x7, v3  }
0x108: {  	v3 =	vor.u32 v3, v4  }
0x109: {  	v4 =	vperm.xlane v3, v0;
	_ =	sdelay $0x1  }
0x10a: {  	v4 =	vadd.s32 v1, v4;
	_ =	sdelay $0x3  }
0x10b: {  	s16 =	simm.s32 $0xA100;
	v3 =	vperm.xlane v3, v2  }
0x10c: {  	[tilespmem:s16], [sflag:$0x1] =	stream.indirect_vreg.gather [hbm4b:s1+s3], $0x80, v4, vm0, $0xb8;
	[tilespmem:$0x19100] =	vst v63  }
0x10d: {  	v3 =	vadd.s32 v1, v3;
	s16 =	simm.s32 $0xA900  }
0x10e: {  	[tilespmem:s16], [sflag:$0x1] =	stream.indirect_vreg.gather [hbm4b:s5+s3], $0x80, v4, vm0, $0xb8;
	[tilespmem:$0x19100] =	vst v63  }
0x10f: {  	s16 =	simm.s32 $0xB100  }
0x110: {  	[tilespmem:s16], [sflag:$0x1] =	stream.indirect_vreg.gather [hbm4b:s6+s3], $0x80, v4, vm0, $0xb8;
	[tilespmem:$0x19100] =	vst v63  }
0x111: {  	s16 =	simm.s32 $0xB900  }
0x112: {  	[tilespmem:s16], [sflag:$0x1] =	stream.indirect_vreg.gather [hbm4b:s1+s3], $0x80, v3, vm0, $0xb8;
	[tilespmem:$0x19100] =	vst v63  }
0x113: {  	s16 =	simm.s32 $0xC100  }
0x114: {  	[tilespmem:s16], [sflag:$0x1] =	stream.indirect_vreg.gather [hbm4b:s5+s3], $0x80, v3, vm0, $0xb8;
	[tilespmem:$0x19100] =	vst v63  }
0x115: {  	s16 =	simm.s32 $0xC900  }
0x116: {  	[tilespmem:s16], [sflag:$0x1] =	stream.indirect_vreg.gather [hbm4b:s6+s3], $0x80, v3, vm0, $0xb8;
	[tilespmem:$0x19100] =	vst v63  }
0x117: {  	s16 =	simm.s32 $0xD900  }
.LBB2_4:
0x118: {  	_ =	swait.ge [sflag:s12], $0xC000  }
0x119: {  	[sflag:s12] =	ssyncset.done $0x0  }
.Ltmp3:
0x11a: {  	s15 =	sadd.s32 $0x1800, s15;
	[sflag:s12] =	ssyncadd.s32 $0xFFFF4000;
	(pc) =	sbr.rel @p0 .LBB2_6-.Ltmp3, $4  }
0x11b: {  	[hbm4b:s15+s3] =	stream.linear.scatter [tilespmem:s7], [sflag:$0x3], $0xC000, $0x38;
	[tilespmem:$0x19100] =	vst v63  }
0x11c: {  	_ =	swait.ge [sflag:s9], $0xC000  }
0x11d: {  	[sflag:s9] =	ssyncset.done $0x0  }
0x11e: {  	[sflag:s9] =	ssyncadd.s32 $0xFFFF4000  }
0x11f: {  	v3 =	vld [tilespmem:s13+$0xFFFFFFD0];
	_ =	sdelay $0x4  }
0x120: {  	[tilespmem:$0x1080] =	vst v3  }
0x121: {  	v4 =	vld [tilespmem:s13+$0xFFFFFFE0];
	_ =	sdelay $0x4  }
0x122: {  	[tilespmem:$0x1090] =	vst v4  }
0x123: {  	v4 =	vld [tilespmem:s13+$0xFFFFFFF0]  }
0x124: {  	v5 =	vshrl.u32 v3, $0x3  }
0x125: {  	v5 =	vmul.u32 $0x30, v5  }
0x126: {  	v3 =	vand.u32 $0x7, v3  }
0x127: {  	v3 =	vor.u32 v3, v5  }
0x128: {  	v59 =	vperm.xlane v3, v0;
	[tilespmem:$0x10A0] =	vst v4  }
0x129: {  	v60 =	vld [tilespmem:s13+$0x0]  }
0x12a: {  	v4 =	vadd.s32 v1, v59;
	_ =	sdelay $0x3  }
0x12b: {  	v3 =	vperm.xlane v3, v2;
	[tilespmem:$0x10B0] =	vst v60  }
0x12c: {  	[tilespmem:s7], [sflag:$0x2] =	stream.indirect_vreg.gather [hbm4b:s1+s3], $0x80, v4, vm0, $0xb8;
	[tilespmem:$0x19100] =	vst v63  }
0x12d: {  	v3 =	vadd.s32 v1, v3  }
0x12e: {  	[tilespmem:s16], [sflag:$0x2] =	stream.indirect_vreg.gather [hbm4b:s5+s3], $0x80, v4, vm0, $0xb8;
	[tilespmem:$0x19100] =	vst v63  }
0x12f: {  	s15 =	simm.s32 $0xE100  }
0x130: {  	[tilespmem:s15], [sflag:$0x2] =	stream.indirect_vreg.gather [hbm4b:s6+s3], $0x80, v4, vm0, $0xb8;
	[tilespmem:$0x19100] =	vst v63  }
0x131: {  	s15 =	simm.s32 $0xE900  }
0x132: {  	[tilespmem:s15], [sflag:$0x2] =	stream.indirect_vreg.gather [hbm4b:s1+s3], $0x80, v3, vm0, $0xb8;
	[tilespmem:$0x19100] =	vst v63  }
0x133: {  	s15 =	simm.s32 $0xF100  }
0x134: {  	[tilespmem:s15], [sflag:$0x2] =	stream.indirect_vreg.gather [hbm4b:s5+s3], $0x80, v3, vm0, $0xb8;
	[tilespmem:$0x19100] =	vst v63  }
0x135: {  	s15 =	simm.s32 $0xF900  }
0x136: {  	[tilespmem:s15], [sflag:$0x2] =	stream.indirect_vreg.gather [hbm4b:s6+s3], $0x80, v3, vm0, $0xb8;
	[tilespmem:$0x19100] =	vst v63  }
0x137: {  	v3 =	vld [tilespmem:$0x1090];
	_ =	sdelay $0x4  }
0x138: {  	v61 =	vshrl.u32 v3, $0x3  }
0x139: {  	v4 =	vmul.u32 $0x30, v61  }
0x13a: {  	v3 =	vand.u32 $0x7, v3  }
0x13b: {  	v3 =	vor.u32 v3, v4  }
0x13c: {  	v4 =	vperm.xlane v3, v0;
	_ =	sdelay $0x1  }
0x13d: {  	v4 =	vadd.s32 v1, v4;
	_ =	sdelay $0x3  }
0x13e: {  	s15 =	simm.s32 $0x10100;
	v3 =	vperm.xlane v3, v2  }
0x13f: {  	[tilespmem:s15], [sflag:$0x2] =	stream.indirect_vreg.gather [hbm4b:s1+s3], $0x80, v4, vm0, $0xb8;
	[tilespmem:$0x19100] =	vst v63  }
0x140: {  	v3 =	vadd.s32 v1, v3  }
0x141: {  	[tilespmem:s17], [sflag:$0x2] =	stream.indirect_vreg.gather [hbm4b:s5+s3], $0x80, v4, vm0, $0xb8;
	[tilespmem:$0x19100] =	vst v63  }
0x142: {  	_ = 	snop  }
0x143: {  	[tilespmem:s18], [sflag:$0x2] =	stream.indirect_vreg.gather [hbm4b:s6+s3], $0x80, v4, vm0, $0xb8;
	[tilespmem:$0x19100] =	vst v63  }
0x144: {  	_ = 	snop  }
0x145: {  	[tilespmem:s19], [sflag:$0x2] =	stream.indirect_vreg.gather [hbm4b:s1+s3], $0x80, v3, vm0, $0xb8;
	[tilespmem:$0x19100] =	vst v63  }
0x146: {  	_ = 	snop  }
0x147: {  	[tilespmem:s20], [sflag:$0x2] =	stream.indirect_vreg.gather [hbm4b:s5+s3], $0x80, v3, vm0, $0xb8;
	[tilespmem:$0x19100] =	vst v63  }
0x148: {  	_ = 	snop  }
0x149: {  	[tilespmem:s21], [sflag:$0x2] =	stream.indirect_vreg.gather [hbm4b:s6+s3], $0x80, v3, vm0, $0xb8;
	[tilespmem:$0x19100] =	vst v63  }
0x14a: {  	v3 =	vld [tilespmem:$0x10A0];
	_ =	sdelay $0x4  }
0x14b: {  	v62 =	vshrl.u32 v3, $0x3  }
0x14c: {  	v4 =	vmul.u32 $0x30, v62  }
0x14d: {  	v3 =	vand.u32 $0x7, v3  }
0x14e: {  	v3 =	vor.u32 v3, v4  }
0x14f: {  	v4 =	vperm.xlane v3, v0;
	_ =	sdelay $0x1  }
0x150: {  	v4 =	vadd.s32 v1, v4;
	_ =	sdelay $0x3  }
0x151: {  	v3 =	vperm.xlane v3, v2  }
0x152: {  	[tilespmem:s22], [sflag:$0x2] =	stream.indirect_vreg.gather [hbm4b:s1+s3], $0x80, v4, vm0, $0xb8;
	[tilespmem:$0x19100] =	vst v63  }
0x153: {  	v3 =	vadd.s32 v1, v3  }
0x154: {  	[tilespmem:s23], [sflag:$0x2] =	stream.indirect_vreg.gather [hbm4b:s5+s3], $0x80, v4, vm0, $0xb8;
	[tilespmem:$0x19100] =	vst v63  }
0x155: {  	_ = 	snop  }
0x156: {  	[tilespmem:s24], [sflag:$0x2] =	stream.indirect_vreg.gather [hbm4b:s6+s3], $0x80, v4, vm0, $0xb8;
	[tilespmem:$0x19100] =	vst v63  }
0x157: {  	_ = 	snop  }
0x158: {  	[tilespmem:s25], [sflag:$0x2] =	stream.indirect_vreg.gather [hbm4b:s1+s3], $0x80, v3, vm0, $0xb8;
	[tilespmem:$0x19100] =	vst v63  }
0x159: {  	_ = 	snop  }
0x15a: {  	[tilespmem:s26], [sflag:$0x2] =	stream.indirect_vreg.gather [hbm4b:s5+s3], $0x80, v3, vm0, $0xb8;
	[tilespmem:$0x19100] =	vst v63  }
0x15b: {  	_ = 	snop  }
0x15c: {  	[tilespmem:s28], [sflag:$0x2] =	stream.indirect_vreg.gather [hbm4b:s6+s3], $0x80, v3, vm0, $0xb8;
	[tilespmem:$0x19100] =	vst v63  }
0x15d: {  	v3 =	vld [tilespmem:$0x10B0];
	_ =	sdelay $0x4  }
0x15e: {  	v63 =	vshrl.u32 v3, $0x3  }
0x15f: {  	v4 =	vmul.u32 $0x30, v63  }
0x160: {  	v3 =	vand.u32 $0x7, v3  }
0x161: {  	v3 =	vor.u32 v3, v4  }
0x162: {  	v4 =	vperm.xlane v3, v0;
	_ =	sdelay $0x1  }
0x163: {  	v4 =	vadd.s32 v1, v4;
	_ =	sdelay $0x3  }
0x164: {  	v3 =	vperm.xlane v3, v2  }
0x165: {  	[tilespmem:s29], [sflag:$0x2] =	stream.indirect_vreg.gather [hbm4b:s1+s3], $0x80, v4, vm0, $0xb8;
	[tilespmem:$0x19100] =	vst v63  }
0x166: {  	v3 =	vadd.s32 v1, v3  }
0x167: {  	[tilespmem:s30], [sflag:$0x2] =	stream.indirect_vreg.gather [hbm4b:s5+s3], $0x80, v4, vm0, $0xb8;
	[tilespmem:$0x19100] =	vst v63  }
0x168: {  	_ = 	snop  }
0x169: {  	[tilespmem:s31], [sflag:$0x2] =	stream.indirect_vreg.gather [hbm4b:s6+s3], $0x80, v4, vm0, $0xb8;
	[tilespmem:$0x19100] =	vst v63  }
0x16a: {  	_ = 	snop  }
0x16b: {  	[tilespmem:s2], [sflag:$0x2] =	stream.indirect_vreg.gather [hbm4b:s1+s3], $0x80, v3, vm0, $0xb8;
	[tilespmem:$0x19100] =	vst v63  }
.Ltmp4:
0x16c: {  	_ = 	snop;
	(pc) =	sbr.rel .LBB2_2-.Ltmp4, $4  }
0x16d: {  	_ = 	snop  }
0x16e: {  	[tilespmem:s0], [sflag:$0x2] =	stream.indirect_vreg.gather [hbm4b:s5+s3], $0x80, v3, vm0, $0xb8;
	[tilespmem:$0x19100] =	vst v63  }
0x16f: {  	s14 =	sadd.s32 $0x3000, s14;
	s13 =	sadd.s32 $0x100, s13  }
0x170: {  	[tilespmem:s4], [sflag:$0x2] =	stream.indirect_vreg.gather [hbm4b:s6+s3], $0x80, v3, vm0, $0xb8;
	[tilespmem:$0x19100] =	vst v63  }
.LBB2_7:
0x171: {  	_ =	sfence.sel $0x180000  }
0x172: {  	[bflag:$0x0] =	sbarrier.arrive $0xFFFF  }
0x173: {  	_ =	strace $0x90000047  }
0x174: {  	s0 =	stileid.u32;
	[bflag:$0x2] =	sbarrier.arrive $0xFFFF  }
0x175: {  	p0 =	sne.s32 s0, $0x0;
	s0 =	rddreg [dreg:$0x3]  }
0x176: {  	s0 =	sadd.s32 @!p0 $0x100000, s0  }
0x177: {  	[sflag:s0] =	ssyncadd.tile.s32 @!p0 $0x1;
	_ =	shalt  }
.Lfunc_end2:
_tile_overlayer_lowered:
.L_overlay_start_2:
0x178: {  	(tag) =	ssettag $0x2  }
0x179: {  	s0 =	rddreg [dreg:$0x0];
	s2 =	stileid.u32  }
0x17a: {  	s1 =	rddreg [dreg:$0x1];
	p0 =	sne.s32 s2, $0x0  }
0x17b: {  	s3 =	rddreg [dreg:$0x2];
	[bflag:$0x3] =	sbarrier.arrive $0xFFFF;
	s2 =	simm.s32 @!p0 $0x1C03  }
0x17c: {  	[timem:s3], [sflag:s2] =	dma.local @!p0 [hbm:s0], s1  }
0x17d: {  	s0 =	simm.s32 @!p0 $0x3  }
0x17e: {  	_ =	swait.ge @!p0 [sflag:s0], s1  }
0x17f: {  	s1 =	ssub.s32 @!p0 $0x0, s1;
	[sflag:s0] =	ssyncset.done @!p0 $0x0  }
0x180: {  	[sflag:s0] =	ssyncadd.s32 @!p0 s1  }
0x181: {  	[bflag:$0x3] =	sbarrier.arrive $0xFFFF  }
0x182: {  	_ =	shalt  }

</sc_bundles>
